<compile_context>
chip_gen: v7x
topology: tpu7x:2x2x1
jax: 0.10.2.dev20260603
libtpu: 0.0.44.dev20260713+nightly
codegen_flags: <defaults>
</compile_context>

<pallas_src>
import dataclasses
import functools
import math

import jax
import jax.numpy as jnp
from jax import lax
from jax.experimental import pallas as pl
from jax.experimental.pallas import tpu as pltpu
from jax.experimental.pallas import tpu_sc as plsc

D = 64
L = 16
NC, NS = 2, 16
NW = NC * NS
SBLK = 8
DG = 8
BW = 1024
VPAD = 5120
SCALE = math.sqrt(float(D))


def _wait(src, dst, sem):
    pltpu.make_async_copy(src, dst, sem).wait()


def _pe_add_kernel(S, B):
    BQ = B // 4
    NBW = BQ // BW
    NU = (S // SBLK) * NBW * SBLK
    mesh = plsc.VectorSubcoreMesh(core_axis_name="c", subcore_axis_name="s")
    cp = pltpu.CompilerParams()
    if "needs_layout_passes" in pltpu.CompilerParams.__dataclass_fields__:
        cp = dataclasses.replace(cp, needs_layout_passes=False)

    @functools.partial(
        pl.kernel,
        out_type=jax.ShapeDtypeStruct((S * D, B), jnp.float32),
        mesh=mesh,
        compiler_params=cp,
        scratch_types=[
            pltpu.VMEM((DG * VPAD,), jnp.float32),
            pltpu.VMEM((DG, BW), jnp.float32),
            pltpu.VMEM((DG, BW), jnp.float32),
            pltpu.VMEM((DG, BW), jnp.float32),
            pltpu.VMEM((DG, BW), jnp.float32),
            pltpu.VMEM((SBLK, BW), jnp.int32),
            pltpu.SemaphoreType.DMA,
            pltpu.SemaphoreType.DMA,
            pltpu.SemaphoreType.DMA,
            pltpu.SemaphoreType.DMA,
            pltpu.SemaphoreType.DMA,
            pltpu.SemaphoreType.DMA,
        ],
    )
    def k(x_hbm, s_hbm, tab_hbm, o_hbm, tab_v, x_v0, x_v1, o_v0, o_v1, st_v,
          sem_t, sem_x0, sem_x1, sem_o0, sem_o1, sem_s):
        x_v = (x_v0, x_v1)
        o_v = (o_v0, o_v1)
        sem_x = (sem_x0, sem_x1)
        sem_o = (sem_o0, sem_o1)
        wid = lax.axis_index("s") * NC + lax.axis_index("c")
        g = lax.rem(wid, 8)
        q = wid // 8
        d0 = g * DG
        bq0 = q * BQ

        def row_of(u):
            return ((u >> 5) * SBLK + (u & 7)) * D + d0

        def b_of(u):
            return bq0 + ((u >> 3) & (NBW - 1)) * BW

        def x_win(u):
            return x_hbm.at[pl.ds(row_of(u), DG), pl.ds(b_of(u), BW)]

        def o_win(u):
            return o_hbm.at[pl.ds(row_of(u), DG), pl.ds(b_of(u), BW)]

        def st_win(u):
            return s_hbm.at[pl.ds((u >> 5) * SBLK, SBLK), pl.ds(b_of(u), BW)]

        pltpu.async_copy(tab_hbm.at[pl.ds(d0 * VPAD, DG * VPAD)],
                         tab_v, sem_t).wait()

        pltpu.async_copy(st_win(0), st_v, sem_s).wait()
        pltpu.async_copy(x_win(0), x_v[0], sem_x[0])
        pltpu.async_copy(x_win(1), x_v[1], sem_x[1])

        @pl.loop(0, NU, step=2)
        def _(u0):
            for p in range(2):
                u = u0 + p
                s8 = u & 7

                if p == 0:
                    @pl.when((s8 == 0) & (u > 0))
                    def _():
                        pltpu.async_copy(st_win(u), st_v, sem_s).wait()

                _wait(x_win(u), x_v[p], sem_x[p])

                @pl.when(u >= 2)
                def _():
                    _wait(o_v[p], o_win(u - 2), sem_o[p])

                xb, ob = x_v[p], o_v[p]

                @pl.loop(0, BW // L, step=2)
                def _(kk):
                    vals = []
                    for kb in range(2):
                        sl = pl.ds((kk + kb) * L, L)
                        idx = st_v[s8, sl]
                        for dl in range(DG):
                            pe_val = plsc.load_gather(
                                tab_v, [idx + dl * VPAD])
                            vals.append(xb[dl, sl] * SCALE + pe_val)
                    for kb in range(2):
                        sl = pl.ds((kk + kb) * L, L)
                        for dl in range(DG):
                            ob[dl, sl] = vals[kb * DG + dl]

                pltpu.async_copy(ob, o_win(u), sem_o[p])

                @pl.when(u + 2 < NU)
                def _():
                    pltpu.async_copy(x_win(u + 2), x_v[p], sem_x[p])

        for u in (NU - 2, NU - 1):
            _wait(o_v[u % 2], o_win(u), sem_o[u % 2])

    return k


def kernel(x, steps, len, pe):
    B, S, d = x.shape
    xt = jnp.transpose(x, (1, 2, 0)).reshape(S * D, B)
    st = jnp.transpose(steps, (1, 0))
    tab = jnp.pad(jnp.transpose(pe[:, 0, :]), ((0, 0), (0, VPAD - pe.shape[0])))
    tab = tab.reshape(-1)
    ot = _pe_add_kernel(S, B)(xt, st, tab)
    return jnp.transpose(ot.reshape(S, D, B), (2, 0, 1))

# --- scband reference (transcript-rebuilt; emitter-appended) ---
"""Pipeline reference for scband-positional-encoding-34402688041065 (READ-ONLY COPY).

The authoritative reference and input builder live on the scoring server;
editing this copy changes nothing except your own understanding.
"""

import jax, jax.numpy as jnp
import numpy as np
import math

D_MODEL = 64
MAX_LEN = 5000


def _build_pe(max_len, d_model):
    position = np.arange(max_len, dtype=np.float32)[:, None]
    div_term = np.exp(np.arange(0, d_model, 2, dtype=np.float32) * (-math.log(10000.0) / d_model))
    pe = np.zeros((max_len, 1, d_model), dtype=np.float32)
    pe[:, 0, 0::2] = np.sin(position * div_term)
    pe[:, 0, 1::2] = np.cos(position * div_term)
    return jnp.asarray(pe)


def setup_inputs(seed: int = 0) -> dict:
    key = jax.random.key(seed)
    k1, k2, k3 = jax.random.split(key, 3)
    B, S = 16384, 200
    x = jax.random.normal(k1, (B, S, D_MODEL), dtype=jnp.float32)
    steps = jax.random.randint(k2, (B, S), 0, MAX_LEN, dtype=jnp.int32)
    ln = jax.random.randint(k3, (B,), 0, 200, dtype=jnp.int32)
    pe = _build_pe(MAX_LEN, D_MODEL)
    return {"x": x, "steps": steps, "len": ln, "pe": pe}


def reference(x, steps, len, pe):
    # NORM = False branch of the torch module; `len` is unused in that branch.
    xs = x * math.sqrt(float(D_MODEL))
    # pe: [max_len, 1, d_model]; gather rows by steps -> [B, S, 1, d_model]
    emb_steps = jnp.take(pe, steps, axis=0)[:, :, 0, : x.shape[2]]
    return xs + emb_steps

if __name__ == "__main__":
    import jax
    _d = setup_inputs()
    print(jax.jit(kernel)(*tuple(_d.values())))

</pallas_src>

<mosaic_0001>
#map = affine_map<(d0, d1) -> (0, 0)>
#map1 = affine_map<(d0, d1) -> (0)>
module attributes {stable_mosaic.version = 14 : i64} {
  func.func @k(%arg0: i32, %arg1: i32, %arg2: memref<12800x16384xf32, #tpu.memory_space<hbm>>, %arg3: memref<200x16384xi32, #tpu.memory_space<hbm>>, %arg4: memref<327680xf32, #tpu.memory_space<hbm>>, %arg5: memref<12800x16384xf32, #tpu.memory_space<hbm>>, %arg6: memref<40960xf32, #tpu.memory_space<vmem>>, %arg7: memref<8x1024xf32, #tpu.memory_space<vmem>>, %arg8: memref<8x1024xf32, #tpu.memory_space<vmem>>, %arg9: memref<8x1024xf32, #tpu.memory_space<vmem>>, %arg10: memref<8x1024xf32, #tpu.memory_space<vmem>>, %arg11: memref<8x1024xi32, #tpu.memory_space<vmem>>, %arg12: memref<!tpu.dma_semaphore, #tpu.memory_space<semaphore_mem>>, %arg13: memref<!tpu.dma_semaphore, #tpu.memory_space<semaphore_mem>>, %arg14: memref<!tpu.dma_semaphore, #tpu.memory_space<semaphore_mem>>, %arg15: memref<!tpu.dma_semaphore, #tpu.memory_space<semaphore_mem>>, %arg16: memref<!tpu.dma_semaphore, #tpu.memory_space<semaphore_mem>>, %arg17: memref<!tpu.dma_semaphore, #tpu.memory_space<semaphore_mem>>) attributes {dimension_semantics = [#tpu.dimension_semantics<core_parallel>, #tpu.dimension_semantics<subcore_parallel>], iteration_bounds = array<i64: 2, 16>, scalar_prefetch = 0 : i64, scratch_operands = 12 : i64, tpu.core_type = #tpu.core_type<sc_vector_subcore>, window_params = [{transform_indices = #map}, {transform_indices = #map}, {transform_indices = #map1}, {transform_indices = #map}]} {
    %mul3A = arith.constant 2 : i32
    %mul3A_0 = arith.muli %arg1, %mul3A : i32
    %add3A = arith.addi %mul3A_0, %arg0 : i32
    %rem3A = arith.constant 8 : i32
    %rem3A_1 = arith.remsi %add3A, %rem3A : i32
    %jit3A = arith.constant 8 : i32
    %div3A = arith.divsi %add3A, %jit3A : i32
    %sign3A = arith.constant 0 : i32
    %sign3A_2 = arith.cmpi sgt, %add3A, %sign3A : i32
    %sign3A_3 = arith.extui %sign3A_2 : i1 to i32
    %sign3A_4 = arith.constant 0 : i32
    %sign3A_5 = arith.cmpi slt, %add3A, %sign3A_4 : i32
    %sign3A_6 = arith.extui %sign3A_5 : i1 to i32
    %sign3A_7 = arith.subi %sign3A_3, %sign3A_6 : i32
    %sign3A_8 = arith.constant 0 : i32
    %sign3A_9 = arith.cmpi sgt, %jit3A, %sign3A_8 : i32
    %sign3A_10 = arith.extui %sign3A_9 : i1 to i32
    %sign3A_11 = arith.constant 0 : i32
    %sign3A_12 = arith.cmpi slt, %jit3A, %sign3A_11 : i32
    %sign3A_13 = arith.extui %sign3A_12 : i1 to i32
    %sign3A_14 = arith.subi %sign3A_10, %sign3A_13 : i32
    %ne3A = arith.cmpi ne, %sign3A_7, %sign3A_14 : i32
    %rem3A_15 = arith.remsi %add3A, %jit3A : i32
    %ne3A_16 = arith.constant 0 : i32
    %ne3A_17 = arith.cmpi ne, %rem3A_15, %ne3A_16 : i32
    %and3A = arith.andi %ne3A, %ne3A_17 : i1
    %sub3A = arith.constant 1 : i32
    %sub3A_18 = arith.subi %div3A, %sub3A : i32
    %select_n3A = arith.select %and3A, %sub3A_18, %div3A : i32
    %mul3A_19 = arith.constant 8 : i32
    %mul3A_20 = arith.muli %rem3A_1, %mul3A_19 : i32
    %mul3A_21 = arith.constant 4096 : i32
    %mul3A_22 = arith.muli %select_n3A, %mul3A_21 : i32
    %mul3A_23 = arith.constant 5120 : i32
    %mul3A_24 = arith.muli %mul3A_20, %mul3A_23 : i32
    %dma_start3A = tpu.memref_slice %arg4[%mul3A_24] : memref<327680xf32, #tpu.memory_space<hbm>> -> memref<40960xf32, #tpu.memory_space<hbm>>
    %dma_start3A_25 = tpu.memref_slice %arg4[%mul3A_24] : memref<327680xf32, #tpu.memory_space<hbm>> -> memref<40960xf32, #tpu.memory_space<hbm>>
    tpu.enqueue_dma source(%dma_start3A_25 : memref<40960xf32, #tpu.memory_space<hbm>>) target(%arg6 : memref<40960xf32, #tpu.memory_space<vmem>>) target_semaphore(%arg12 : memref<!tpu.dma_semaphore, #tpu.memory_space<semaphore_mem>>)
    %dma_wait3A = tpu.memref_slice %arg4[%mul3A_24] : memref<327680xf32, #tpu.memory_space<hbm>> -> memref<40960xf32, #tpu.memory_space<hbm>>
    %dma_wait3A_26 = tpu.memref_slice %arg4[%mul3A_24] : memref<327680xf32, #tpu.memory_space<hbm>> -> memref<40960xf32, #tpu.memory_space<hbm>>
    tpu.wait_dma2 semaphore(%arg12 : memref<!tpu.dma_semaphore, #tpu.memory_space<semaphore_mem>>) src(%dma_wait3A_26 : memref<40960xf32, #tpu.memory_space<hbm>>) dst(%arg6 : memref<40960xf32, #tpu.memory_space<vmem>>)
    %add3A_27 = arith.constant 0 : i32
    %add3A_28 = arith.addi %mul3A_22, %add3A_27 : i32
    %dma_start3A_29 = arith.constant 0 : i32
    %dma_start3A_30 = tpu.memref_slice %arg3[%dma_start3A_29, %add3A_28] : memref<200x16384xi32, #tpu.memory_space<hbm>> -> memref<8x1024xi32, #tpu.memory_space<hbm>>
    %dma_start3A_31 = arith.constant 0 : i32
    %dma_start3A_32 = tpu.memref_slice %arg3[%dma_start3A_31, %add3A_28] : memref<200x16384xi32, #tpu.memory_space<hbm>> -> memref<8x1024xi32, #tpu.memory_space<hbm>>
    tpu.enqueue_dma source(%dma_start3A_32 : memref<8x1024xi32, #tpu.memory_space<hbm>>) target(%arg11 : memref<8x1024xi32, #tpu.memory_space<vmem>>) target_semaphore(%arg17 : memref<!tpu.dma_semaphore, #tpu.memory_space<semaphore_mem>>)
    %dma_wait3A_33 = arith.constant 0 : i32
    %dma_wait3A_34 = tpu.memref_slice %arg3[%dma_wait3A_33, %add3A_28] : memref<200x16384xi32, #tpu.memory_space<hbm>> -> memref<8x1024xi32, #tpu.memory_space<hbm>>
    %dma_wait3A_35 = arith.constant 0 : i32
    %dma_wait3A_36 = tpu.memref_slice %arg3[%dma_wait3A_35, %add3A_28] : memref<200x16384xi32, #tpu.memory_space<hbm>> -> memref<8x1024xi32, #tpu.memory_space<hbm>>
    tpu.wait_dma2 semaphore(%arg17 : memref<!tpu.dma_semaphore, #tpu.memory_space<semaphore_mem>>) src(%dma_wait3A_36 : memref<8x1024xi32, #tpu.memory_space<hbm>>) dst(%arg11 : memref<8x1024xi32, #tpu.memory_space<vmem>>)
    %add3A_37 = arith.constant 0 : i32
    %add3A_38 = arith.addi %add3A_37, %mul3A_20 : i32
    %add3A_39 = arith.constant 0 : i32
    %add3A_40 = arith.addi %mul3A_22, %add3A_39 : i32
    %dma_start3A_41 = tpu.memref_slice %arg2[%add3A_38, %add3A_40] : memref<12800x16384xf32, #tpu.memory_space<hbm>> -> memref<8x1024xf32, #tpu.memory_space<hbm>>
    %dma_start3A_42 = tpu.memref_slice %arg2[%add3A_38, %add3A_40] : memref<12800x16384xf32, #tpu.memory_space<hbm>> -> memref<8x1024xf32, #tpu.memory_space<hbm>>
    tpu.enqueue_dma source(%dma_start3A_42 : memref<8x1024xf32, #tpu.memory_space<hbm>>) target(%arg7 : memref<8x1024xf32, #tpu.memory_space<vmem>>) target_semaphore(%arg13 : memref<!tpu.dma_semaphore, #tpu.memory_space<semaphore_mem>>)
    %add3A_43 = arith.constant 64 : i32
    %add3A_44 = arith.addi %add3A_43, %mul3A_20 : i32
    %add3A_45 = arith.constant 0 : i32
    %add3A_46 = arith.addi %mul3A_22, %add3A_45 : i32
    %dma_start3A_47 = tpu.memref_slice %arg2[%add3A_44, %add3A_46] : memref<12800x16384xf32, #tpu.memory_space<hbm>> -> memref<8x1024xf32, #tpu.memory_space<hbm>>
    %dma_start3A_48 = tpu.memref_slice %arg2[%add3A_44, %add3A_46] : memref<12800x16384xf32, #tpu.memory_space<hbm>> -> memref<8x1024xf32, #tpu.memory_space<hbm>>
    tpu.enqueue_dma source(%dma_start3A_48 : memref<8x1024xf32, #tpu.memory_space<hbm>>) target(%arg8 : memref<8x1024xf32, #tpu.memory_space<vmem>>) target_semaphore(%arg14 : memref<!tpu.dma_semaphore, #tpu.memory_space<semaphore_mem>>)
    %scan3A = arith.constant 0 : i32
    %scan3A_49 = arith.constant 400 : i32
    %scan3A_50 = arith.addi %scan3A, %scan3A_49 : i32
    %scan3A_51 = arith.constant 1 : i32
    scf.for %scan3A_65 = %scan3A to %scan3A_50 step %scan3A_51  : i32 {
      %mul3A_66 = arith.constant 2 : i32
      %mul3A_67 = arith.muli %scan3A_65, %mul3A_66 : i32
      %add3A_68 = arith.constant 0 : i32
      %add3A_69 = arith.addi %add3A_68, %mul3A_67 : i32
      %add3A_70 = arith.constant 0 : i32
      %add3A_71 = arith.addi %add3A_69, %add3A_70 : i32
      %and3A_72 = arith.constant 7 : i32
      %and3A_73 = arith.andi %add3A_71, %and3A_72 : i32
      %eq3A = arith.constant 0 : i32
      %eq3A_74 = arith.cmpi eq, %and3A_73, %eq3A : i32
      %gt3A = arith.constant 0 : i32
      %gt3A_75 = arith.cmpi sgt, %add3A_71, %gt3A : i32
      %and3A_76 = arith.andi %eq3A_74, %gt3A_75 : i1
      %convert_element_type3A = arith.extui %and3A_76 : i1 to i32
      %cond3A = arith.constant 0 : i32
      %cond3A_77 = arith.cmpi ne, %convert_element_type3A, %cond3A : i32
      scf.if %cond3A_77 {
        %shift_right_arithmetic3A_189 = arith.constant 5 : i32
        %shift_right_arithmetic3A_190 = arith.shrsi %add3A_71, %shift_right_arithmetic3A_189 : i32
        %mul3A_191 = arith.constant 8 : i32
        %mul3A_192 = arith.muli %shift_right_arithmetic3A_190, %mul3A_191 : i32
        %shift_right_arithmetic3A_193 = arith.constant 3 : i32
        %shift_right_arithmetic3A_194 = arith.shrsi %add3A_71, %shift_right_arithmetic3A_193 : i32
        %and3A_195 = arith.constant 3 : i32
        %and3A_196 = arith.andi %shift_right_arithmetic3A_194, %and3A_195 : i32
        %mul3A_197 = arith.constant 1024 : i32
        %mul3A_198 = arith.muli %and3A_196, %mul3A_197 : i32
        %add3A_199 = arith.addi %mul3A_22, %mul3A_198 : i32
        %dma_start3A_200 = tpu.memref_slice %arg3[%mul3A_192, %add3A_199] : memref<200x16384xi32, #tpu.memory_space<hbm>> -> memref<8x1024xi32, #tpu.memory_space<hbm>>
        %dma_start3A_201 = tpu.memref_slice %arg3[%mul3A_192, %add3A_199] : memref<200x16384xi32, #tpu.memory_space<hbm>> -> memref<8x1024xi32, #tpu.memory_space<hbm>>
        tpu.enqueue_dma source(%dma_start3A_201 : memref<8x1024xi32, #tpu.memory_space<hbm>>) target(%arg11 : memref<8x1024xi32, #tpu.memory_space<vmem>>) target_semaphore(%arg17 : memref<!tpu.dma_semaphore, #tpu.memory_space<semaphore_mem>>)
        %dma_wait3A_202 = tpu.memref_slice %arg3[%mul3A_192, %add3A_199] : memref<200x16384xi32, #tpu.memory_space<hbm>> -> memref<8x1024xi32, #tpu.memory_space<hbm>>
        %dma_wait3A_203 = tpu.memref_slice %arg3[%mul3A_192, %add3A_199] : memref<200x16384xi32, #tpu.memory_space<hbm>> -> memref<8x1024xi32, #tpu.memory_space<hbm>>
        tpu.wait_dma2 semaphore(%arg17 : memref<!tpu.dma_semaphore, #tpu.memory_space<semaphore_mem>>) src(%dma_wait3A_203 : memref<8x1024xi32, #tpu.memory_space<hbm>>) dst(%arg11 : memref<8x1024xi32, #tpu.memory_space<vmem>>)
      } else {
      }
      %shift_right_arithmetic3A = arith.constant 5 : i32
      %shift_right_arithmetic3A_78 = arith.shrsi %add3A_71, %shift_right_arithmetic3A : i32
      %mul3A_79 = arith.constant 8 : i32
      %mul3A_80 = arith.muli %shift_right_arithmetic3A_78, %mul3A_79 : i32
      %and3A_81 = arith.constant 7 : i32
      %and3A_82 = arith.andi %add3A_71, %and3A_81 : i32
      %add3A_83 = arith.addi %mul3A_80, %and3A_82 : i32
      %mul3A_84 = arith.constant 64 : i32
      %mul3A_85 = arith.muli %add3A_83, %mul3A_84 : i32
      %add3A_86 = arith.addi %mul3A_85, %mul3A_20 : i32
      %shift_right_arithmetic3A_87 = arith.constant 3 : i32
      %shift_right_arithmetic3A_88 = arith.shrsi %add3A_71, %shift_right_arithmetic3A_87 : i32
      %and3A_89 = arith.constant 3 : i32
      %and3A_90 = arith.andi %shift_right_arithmetic3A_88, %and3A_89 : i32
      %mul3A_91 = arith.constant 1024 : i32
      %mul3A_92 = arith.muli %and3A_90, %mul3A_91 : i32
      %add3A_93 = arith.addi %mul3A_22, %mul3A_92 : i32
      %dma_wait3A_94 = tpu.memref_slice %arg2[%add3A_86, %add3A_93] : memref<12800x16384xf32, #tpu.memory_space<hbm>> -> memref<8x1024xf32, #tpu.memory_space<hbm>>
      %dma_wait3A_95 = tpu.memref_slice %arg2[%add3A_86, %add3A_93] : memref<12800x16384xf32, #tpu.memory_space<hbm>> -> memref<8x1024xf32, #tpu.memory_space<hbm>>
      tpu.wait_dma2 semaphore(%arg13 : memref<!tpu.dma_semaphore, #tpu.memory_space<semaphore_mem>>) src(%dma_wait3A_95 : memref<8x1024xf32, #tpu.memory_space<hbm>>) dst(%arg7 : memref<8x1024xf32, #tpu.memory_space<vmem>>)
      %ge3A = arith.constant 2 : i32
      %ge3A_96 = arith.cmpi sge, %add3A_71, %ge3A : i32
      %convert_element_type3A_97 = arith.extui %ge3A_96 : i1 to i32
      %cond3A_98 = arith.constant 0 : i32
      %cond3A_99 = arith.cmpi ne, %convert_element_type3A_97, %cond3A_98 : i32
      scf.if %cond3A_99 {
        %sub3A_189 = arith.constant 2 : i32
        %sub3A_190 = arith.subi %add3A_71, %sub3A_189 : i32
        %shift_right_arithmetic3A_191 = arith.constant 5 : i32
        %shift_right_arithmetic3A_192 = arith.shrsi %sub3A_190, %shift_right_arithmetic3A_191 : i32
        %mul3A_193 = arith.constant 8 : i32
        %mul3A_194 = arith.muli %shift_right_arithmetic3A_192, %mul3A_193 : i32
        %and3A_195 = arith.constant 7 : i32
        %and3A_196 = arith.andi %sub3A_190, %and3A_195 : i32
        %add3A_197 = arith.addi %mul3A_194, %and3A_196 : i32
        %mul3A_198 = arith.constant 64 : i32
        %mul3A_199 = arith.muli %add3A_197, %mul3A_198 : i32
        %add3A_200 = arith.addi %mul3A_199, %mul3A_20 : i32
        %shift_right_arithmetic3A_201 = arith.constant 3 : i32
        %shift_right_arithmetic3A_202 = arith.shrsi %sub3A_190, %shift_right_arithmetic3A_201 : i32
        %and3A_203 = arith.constant 3 : i32
        %and3A_204 = arith.andi %shift_right_arithmetic3A_202, %and3A_203 : i32
        %mul3A_205 = arith.constant 1024 : i32
        %mul3A_206 = arith.muli %and3A_204, %mul3A_205 : i32
        %add3A_207 = arith.addi %mul3A_22, %mul3A_206 : i32
        %dma_wait3A_208 = tpu.memref_slice %arg5[%add3A_200, %add3A_207] : memref<12800x16384xf32, #tpu.memory_space<hbm>> -> memref<8x1024xf32, #tpu.memory_space<hbm>>
        %dma_wait3A_209 = tpu.memref_slice %arg5[%add3A_200, %add3A_207] : memref<12800x16384xf32, #tpu.memory_space<hbm>> -> memref<8x1024xf32, #tpu.memory_space<hbm>>
        tpu.wait_dma2 semaphore(%arg15 : memref<!tpu.dma_semaphore, #tpu.memory_space<semaphore_mem>>) src(%arg9 : memref<8x1024xf32, #tpu.memory_space<vmem>>) dst(%dma_wait3A_209 : memref<8x1024xf32, #tpu.memory_space<hbm>>)
      } else {
      }
      %scan3A_100 = arith.constant 0 : i32
      %scan3A_101 = arith.constant 32 : i32
      %scan3A_102 = arith.addi %scan3A_100, %scan3A_101 : i32
      %scan3A_103 = arith.constant 1 : i32
      scf.for %scan3A_189 = %scan3A_100 to %scan3A_102 step %scan3A_103  : i32 {
        %mul3A_190 = arith.constant 2 : i32
        %mul3A_191 = arith.muli %scan3A_189, %mul3A_190 : i32
        %add3A_192 = arith.constant 0 : i32
        %add3A_193 = arith.addi %add3A_192, %mul3A_191 : i32
        %add3A_194 = arith.constant 0 : i32
        %add3A_195 = arith.addi %add3A_193, %add3A_194 : i32
        %mul3A_196 = arith.constant 16 : i32
        %mul3A_197 = arith.muli %add3A_195, %mul3A_196 : i32
        %get3A = arith.index_cast %and3A_73 : i32 to index
        %get3A_198 = arith.index_cast %mul3A_197 : i32 to index
        %get3A_199 = tpu.vector_load %arg11[%get3A, %get3A_198] {strides = array<i32>} : memref<8x1024xi32, #tpu.memory_space<vmem>>, vector<16xi32>,
        %add3A_200 = arith.constant 0 : i32
        %add3A_201 = vector.broadcast %add3A_200 : i32 to vector<16xi32>
        %add3A_202 = arith.addi %get3A_199, %add3A_201 : vector<16xi32>
        %gather3A = tpu.vector_load_idx %arg6[%add3A_202] : memref<40960xf32, #tpu.memory_space<vmem>>[vector<16xi32>], vector<16xf32>,
        %get3A_203 = arith.constant 0 : i32
        %get3A_204 = arith.index_cast %get3A_203 : i32 to index
        %get3A_205 = arith.index_cast %mul3A_197 : i32 to index
        %get3A_206 = tpu.vector_load %arg7[%get3A_204, %get3A_205] {strides = array<i32>} : memref<8x1024xf32, #tpu.memory_space<vmem>>, vector<16xf32>,
        %mul3A_207 = arith.constant 8.000000e+00 : f32
        %mul3A_208 = vector.broadcast %mul3A_207 : f32 to vector<16xf32>
        %mul3A_209 = arith.mulf %get3A_206, %mul3A_208 : vector<16xf32>
        %add3A_210 = arith.addf %mul3A_209, %gather3A : vector<16xf32>
        %add3A_211 = arith.constant 5120 : i32
        %add3A_212 = vector.broadcast %add3A_211 : i32 to vector<16xi32>
        %add3A_213 = arith.addi %get3A_199, %add3A_212 : vector<16xi32>
        %gather3A_214 = tpu.vector_load_idx %arg6[%add3A_213] : memref<40960xf32, #tpu.memory_space<vmem>>[vector<16xi32>], vector<16xf32>,
        %get3A_215 = arith.constant 1 : i32
        %get3A_216 = arith.index_cast %get3A_215 : i32 to index
        %get3A_217 = arith.index_cast %mul3A_197 : i32 to index
        %get3A_218 = tpu.vector_load %arg7[%get3A_216, %get3A_217] {strides = array<i32>} : memref<8x1024xf32, #tpu.memory_space<vmem>>, vector<16xf32>,
        %mul3A_219 = arith.constant 8.000000e+00 : f32
        %mul3A_220 = vector.broadcast %mul3A_219 : f32 to vector<16xf32>
        %mul3A_221 = arith.mulf %get3A_218, %mul3A_220 : vector<16xf32>
        %add3A_222 = arith.addf %mul3A_221, %gather3A_214 : vector<16xf32>
        %add3A_223 = arith.constant 10240 : i32
        %add3A_224 = vector.broadcast %add3A_223 : i32 to vector<16xi32>
        %add3A_225 = arith.addi %get3A_199, %add3A_224 : vector<16xi32>
        %gather3A_226 = tpu.vector_load_idx %arg6[%add3A_225] : memref<40960xf32, #tpu.memory_space<vmem>>[vector<16xi32>], vector<16xf32>,
        %get3A_227 = arith.constant 2 : i32
        %get3A_228 = arith.index_cast %get3A_227 : i32 to index
        %get3A_229 = arith.index_cast %mul3A_197 : i32 to index
        %get3A_230 = tpu.vector_load %arg7[%get3A_228, %get3A_229] {strides = array<i32>} : memref<8x1024xf32, #tpu.memory_space<vmem>>, vector<16xf32>,
        %mul3A_231 = arith.constant 8.000000e+00 : f32
        %mul3A_232 = vector.broadcast %mul3A_231 : f32 to vector<16xf32>
        %mul3A_233 = arith.mulf %get3A_230, %mul3A_232 : vector<16xf32>
        %add3A_234 = arith.addf %mul3A_233, %gather3A_226 : vector<16xf32>
        %add3A_235 = arith.constant 15360 : i32
        %add3A_236 = vector.broadcast %add3A_235 : i32 to vector<16xi32>
        %add3A_237 = arith.addi %get3A_199, %add3A_236 : vector<16xi32>
        %gather3A_238 = tpu.vector_load_idx %arg6[%add3A_237] : memref<40960xf32, #tpu.memory_space<vmem>>[vector<16xi32>], vector<16xf32>,
        %get3A_239 = arith.constant 3 : i32
        %get3A_240 = arith.index_cast %get3A_239 : i32 to index
        %get3A_241 = arith.index_cast %mul3A_197 : i32 to index
        %get3A_242 = tpu.vector_load %arg7[%get3A_240, %get3A_241] {strides = array<i32>} : memref<8x1024xf32, #tpu.memory_space<vmem>>, vector<16xf32>,
        %mul3A_243 = arith.constant 8.000000e+00 : f32
        %mul3A_244 = vector.broadcast %mul3A_243 : f32 to vector<16xf32>
        %mul3A_245 = arith.mulf %get3A_242, %mul3A_244 : vector<16xf32>
        %add3A_246 = arith.addf %mul3A_245, %gather3A_238 : vector<16xf32>
        %add3A_247 = arith.constant 20480 : i32
        %add3A_248 = vector.broadcast %add3A_247 : i32 to vector<16xi32>
        %add3A_249 = arith.addi %get3A_199, %add3A_248 : vector<16xi32>
        %gather3A_250 = tpu.vector_load_idx %arg6[%add3A_249] : memref<40960xf32, #tpu.memory_space<vmem>>[vector<16xi32>], vector<16xf32>,
        %get3A_251 = arith.constant 4 : i32
        %get3A_252 = arith.index_cast %get3A_251 : i32 to index
        %get3A_253 = arith.index_cast %mul3A_197 : i32 to index
        %get3A_254 = tpu.vector_load %arg7[%get3A_252, %get3A_253] {strides = array<i32>} : memref<8x1024xf32, #tpu.memory_space<vmem>>, vector<16xf32>,
        %mul3A_255 = arith.constant 8.000000e+00 : f32
        %mul3A_256 = vector.broadcast %mul3A_255 : f32 to vector<16xf32>
        %mul3A_257 = arith.mulf %get3A_254, %mul3A_256 : vector<16xf32>
        %add3A_258 = arith.addf %mul3A_257, %gather3A_250 : vector<16xf32>
        %add3A_259 = arith.constant 25600 : i32
        %add3A_260 = vector.broadcast %add3A_259 : i32 to vector<16xi32>
        %add3A_261 = arith.addi %get3A_199, %add3A_260 : vector<16xi32>
        %gather3A_262 = tpu.vector_load_idx %arg6[%add3A_261] : memref<40960xf32, #tpu.memory_space<vmem>>[vector<16xi32>], vector<16xf32>,
        %get3A_263 = arith.constant 5 : i32
        %get3A_264 = arith.index_cast %get3A_263 : i32 to index
        %get3A_265 = arith.index_cast %mul3A_197 : i32 to index
        %get3A_266 = tpu.vector_load %arg7[%get3A_264, %get3A_265] {strides = array<i32>} : memref<8x1024xf32, #tpu.memory_space<vmem>>, vector<16xf32>,
        %mul3A_267 = arith.constant 8.000000e+00 : f32
        %mul3A_268 = vector.broadcast %mul3A_267 : f32 to vector<16xf32>
        %mul3A_269 = arith.mulf %get3A_266, %mul3A_268 : vector<16xf32>
        %add3A_270 = arith.addf %mul3A_269, %gather3A_262 : vector<16xf32>
        %add3A_271 = arith.constant 30720 : i32
        %add3A_272 = vector.broadcast %add3A_271 : i32 to vector<16xi32>
        %add3A_273 = arith.addi %get3A_199, %add3A_272 : vector<16xi32>
        %gather3A_274 = tpu.vector_load_idx %arg6[%add3A_273] : memref<40960xf32, #tpu.memory_space<vmem>>[vector<16xi32>], vector<16xf32>,
        %get3A_275 = arith.constant 6 : i32
        %get3A_276 = arith.index_cast %get3A_275 : i32 to index
        %get3A_277 = arith.index_cast %mul3A_197 : i32 to index
        %get3A_278 = tpu.vector_load %arg7[%get3A_276, %get3A_277] {strides = array<i32>} : memref<8x1024xf32, #tpu.memory_space<vmem>>, vector<16xf32>,
        %mul3A_279 = arith.constant 8.000000e+00 : f32
        %mul3A_280 = vector.broadcast %mul3A_279 : f32 to vector<16xf32>
        %mul3A_281 = arith.mulf %get3A_278, %mul3A_280 : vector<16xf32>
        %add3A_282 = arith.addf %mul3A_281, %gather3A_274 : vector<16xf32>
        %add3A_283 = arith.constant 35840 : i32
        %add3A_284 = vector.broadcast %add3A_283 : i32 to vector<16xi32>
        %add3A_285 = arith.addi %get3A_199, %add3A_284 : vector<16xi32>
        %gather3A_286 = tpu.vector_load_idx %arg6[%add3A_285] : memref<40960xf32, #tpu.memory_space<vmem>>[vector<16xi32>], vector<16xf32>,
        %get3A_287 = arith.constant 7 : i32
        %get3A_288 = arith.index_cast %get3A_287 : i32 to index
        %get3A_289 = arith.index_cast %mul3A_197 : i32 to index
        %get3A_290 = tpu.vector_load %arg7[%get3A_288, %get3A_289] {strides = array<i32>} : memref<8x1024xf32, #tpu.memory_space<vmem>>, vector<16xf32>,
        %mul3A_291 = arith.constant 8.000000e+00 : f32
        %mul3A_292 = vector.broadcast %mul3A_291 : f32 to vector<16xf32>
        %mul3A_293 = arith.mulf %get3A_290, %mul3A_292 : vector<16xf32>
        %add3A_294 = arith.addf %mul3A_293, %gather3A_286 : vector<16xf32>
        %add3A_295 = arith.constant 1 : i32
        %add3A_296 = arith.addi %add3A_193, %add3A_295 : i32
        %mul3A_297 = arith.constant 16 : i32
        %mul3A_298 = arith.muli %add3A_296, %mul3A_297 : i32
        %get3A_299 = arith.index_cast %and3A_73 : i32 to index
        %get3A_300 = arith.index_cast %mul3A_298 : i32 to index
        %get3A_301 = tpu.vector_load %arg11[%get3A_299, %get3A_300] {strides = array<i32>} : memref<8x1024xi32, #tpu.memory_space<vmem>>, vector<16xi32>,
        %add3A_302 = arith.constant 0 : i32
        %add3A_303 = vector.broadcast %add3A_302 : i32 to vector<16xi32>
        %add3A_304 = arith.addi %get3A_301, %add3A_303 : vector<16xi32>
        %gather3A_305 = tpu.vector_load_idx %arg6[%add3A_304] : memref<40960xf32, #tpu.memory_space<vmem>>[vector<16xi32>], vector<16xf32>,
        %get3A_306 = arith.constant 0 : i32
        %get3A_307 = arith.index_cast %get3A_306 : i32 to index
        %get3A_308 = arith.index_cast %mul3A_298 : i32 to index
        %get3A_309 = tpu.vector_load %arg7[%get3A_307, %get3A_308] {strides = array<i32>} : memref<8x1024xf32, #tpu.memory_space<vmem>>, vector<16xf32>,
        %mul3A_310 = arith.constant 8.000000e+00 : f32
        %mul3A_311 = vector.broadcast %mul3A_310 : f32 to vector<16xf32>
        %mul3A_312 = arith.mulf %get3A_309, %mul3A_311 : vector<16xf32>
        %add3A_313 = arith.addf %mul3A_312, %gather3A_305 : vector<16xf32>
        %add3A_314 = arith.constant 5120 : i32
        %add3A_315 = vector.broadcast %add3A_314 : i32 to vector<16xi32>
        %add3A_316 = arith.addi %get3A_301, %add3A_315 : vector<16xi32>
        %gather3A_317 = tpu.vector_load_idx %arg6[%add3A_316] : memref<40960xf32, #tpu.memory_space<vmem>>[vector<16xi32>], vector<16xf32>,
        %get3A_318 = arith.constant 1 : i32
        %get3A_319 = arith.index_cast %get3A_318 : i32 to index
        %get3A_320 = arith.index_cast %mul3A_298 : i32 to index
        %get3A_321 = tpu.vector_load %arg7[%get3A_319, %get3A_320] {strides = array<i32>} : memref<8x1024xf32, #tpu.memory_space<vmem>>, vector<16xf32>,
        %mul3A_322 = arith.constant 8.000000e+00 : f32
        %mul3A_323 = vector.broadcast %mul3A_322 : f32 to vector<16xf32>
        %mul3A_324 = arith.mulf %get3A_321, %mul3A_323 : vector<16xf32>
        %add3A_325 = arith.addf %mul3A_324, %gather3A_317 : vector<16xf32>
        %add3A_326 = arith.constant 10240 : i32
        %add3A_327 = vector.broadcast %add3A_326 : i32 to vector<16xi32>
        %add3A_328 = arith.addi %get3A_301, %add3A_327 : vector<16xi32>
        %gather3A_329 = tpu.vector_load_idx %arg6[%add3A_328] : memref<40960xf32, #tpu.memory_space<vmem>>[vector<16xi32>], vector<16xf32>,
        %get3A_330 = arith.constant 2 : i32
        %get3A_331 = arith.index_cast %get3A_330 : i32 to index
        %get3A_332 = arith.index_cast %mul3A_298 : i32 to index
        %get3A_333 = tpu.vector_load %arg7[%get3A_331, %get3A_332] {strides = array<i32>} : memref<8x1024xf32, #tpu.memory_space<vmem>>, vector<16xf32>,
        %mul3A_334 = arith.constant 8.000000e+00 : f32
        %mul3A_335 = vector.broadcast %mul3A_334 : f32 to vector<16xf32>
        %mul3A_336 = arith.mulf %get3A_333, %mul3A_335 : vector<16xf32>
        %add3A_337 = arith.addf %mul3A_336, %gather3A_329 : vector<16xf32>
        %add3A_338 = arith.constant 15360 : i32
        %add3A_339 = vector.broadcast %add3A_338 : i32 to vector<16xi32>
        %add3A_340 = arith.addi %get3A_301, %add3A_339 : vector<16xi32>
        %gather3A_341 = tpu.vector_load_idx %arg6[%add3A_340] : memref<40960xf32, #tpu.memory_space<vmem>>[vector<16xi32>], vector<16xf32>,
        %get3A_342 = arith.constant 3 : i32
        %get3A_343 = arith.index_cast %get3A_342 : i32 to index
        %get3A_344 = arith.index_cast %mul3A_298 : i32 to index
        %get3A_345 = tpu.vector_load %arg7[%get3A_343, %get3A_344] {strides = array<i32>} : memref<8x1024xf32, #tpu.memory_space<vmem>>, vector<16xf32>,
        %mul3A_346 = arith.constant 8.000000e+00 : f32
        %mul3A_347 = vector.broadcast %mul3A_346 : f32 to vector<16xf32>
        %mul3A_348 = arith.mulf %get3A_345, %mul3A_347 : vector<16xf32>
        %add3A_349 = arith.addf %mul3A_348, %gather3A_341 : vector<16xf32>
        %add3A_350 = arith.constant 20480 : i32
        %add3A_351 = vector.broadcast %add3A_350 : i32 to vector<16xi32>
        %add3A_352 = arith.addi %get3A_301, %add3A_351 : vector<16xi32>
        %gather3A_353 = tpu.vector_load_idx %arg6[%add3A_352] : memref<40960xf32, #tpu.memory_space<vmem>>[vector<16xi32>], vector<16xf32>,
        %get3A_354 = arith.constant 4 : i32
        %get3A_355 = arith.index_cast %get3A_354 : i32 to index
        %get3A_356 = arith.index_cast %mul3A_298 : i32 to index
        %get3A_357 = tpu.vector_load %arg7[%get3A_355, %get3A_356] {strides = array<i32>} : memref<8x1024xf32, #tpu.memory_space<vmem>>, vector<16xf32>,
        %mul3A_358 = arith.constant 8.000000e+00 : f32
        %mul3A_359 = vector.broadcast %mul3A_358 : f32 to vector<16xf32>
        %mul3A_360 = arith.mulf %get3A_357, %mul3A_359 : vector<16xf32>
        %add3A_361 = arith.addf %mul3A_360, %gather3A_353 : vector<16xf32>
        %add3A_362 = arith.constant 25600 : i32
        %add3A_363 = vector.broadcast %add3A_362 : i32 to vector<16xi32>
        %add3A_364 = arith.addi %get3A_301, %add3A_363 : vector<16xi32>
        %gather3A_365 = tpu.vector_load_idx %arg6[%add3A_364] : memref<40960xf32, #tpu.memory_space<vmem>>[vector<16xi32>], vector<16xf32>,
        %get3A_366 = arith.constant 5 : i32
        %get3A_367 = arith.index_cast %get3A_366 : i32 to index
        %get3A_368 = arith.index_cast %mul3A_298 : i32 to index
        %get3A_369 = tpu.vector_load %arg7[%get3A_367, %get3A_368] {strides = array<i32>} : memref<8x1024xf32, #tpu.memory_space<vmem>>, vector<16xf32>,
        %mul3A_370 = arith.constant 8.000000e+00 : f32
        %mul3A_371 = vector.broadcast %mul3A_370 : f32 to vector<16xf32>
        %mul3A_372 = arith.mulf %get3A_369, %mul3A_371 : vector<16xf32>
        %add3A_373 = arith.addf %mul3A_372, %gather3A_365 : vector<16xf32>
        %add3A_374 = arith.constant 30720 : i32
        %add3A_375 = vector.broadcast %add3A_374 : i32 to vector<16xi32>
        %add3A_376 = arith.addi %get3A_301, %add3A_375 : vector<16xi32>
        %gather3A_377 = tpu.vector_load_idx %arg6[%add3A_376] : memref<40960xf32, #tpu.memory_space<vmem>>[vector<16xi32>], vector<16xf32>,
        %get3A_378 = arith.constant 6 : i32
        %get3A_379 = arith.index_cast %get3A_378 : i32 to index
        %get3A_380 = arith.index_cast %mul3A_298 : i32 to index
        %get3A_381 = tpu.vector_load %arg7[%get3A_379, %get3A_380] {strides = array<i32>} : memref<8x1024xf32, #tpu.memory_space<vmem>>, vector<16xf32>,
        %mul3A_382 = arith.constant 8.000000e+00 : f32
        %mul3A_383 = vector.broadcast %mul3A_382 : f32 to vector<16xf32>
        %mul3A_384 = arith.mulf %get3A_381, %mul3A_383 : vector<16xf32>
        %add3A_385 = arith.addf %mul3A_384, %gather3A_377 : vector<16xf32>
        %add3A_386 = arith.constant 35840 : i32
        %add3A_387 = vector.broadcast %add3A_386 : i32 to vector<16xi32>
        %add3A_388 = arith.addi %get3A_301, %add3A_387 : vector<16xi32>
        %gather3A_389 = tpu.vector_load_idx %arg6[%add3A_388] : memref<40960xf32, #tpu.memory_space<vmem>>[vector<16xi32>], vector<16xf32>,
        %get3A_390 = arith.constant 7 : i32
        %get3A_391 = arith.index_cast %get3A_390 : i32 to index
        %get3A_392 = arith.index_cast %mul3A_298 : i32 to index
        %get3A_393 = tpu.vector_load %arg7[%get3A_391, %get3A_392] {strides = array<i32>} : memref<8x1024xf32, #tpu.memory_space<vmem>>, vector<16xf32>,
        %mul3A_394 = arith.constant 8.000000e+00 : f32
        %mul3A_395 = vector.broadcast %mul3A_394 : f32 to vector<16xf32>
        %mul3A_396 = arith.mulf %get3A_393, %mul3A_395 : vector<16xf32>
        %add3A_397 = arith.addf %mul3A_396, %gather3A_389 : vector<16xf32>
        %add3A_398 = arith.constant 0 : i32
        %add3A_399 = arith.addi %add3A_193, %add3A_398 : i32
        %mul3A_400 = arith.constant 16 : i32
        %mul3A_401 = arith.muli %add3A_399, %mul3A_400 : i32
        %swap3A = arith.constant 0 : i32
        %swap3A_402 = arith.index_cast %swap3A : i32 to index
        %swap3A_403 = arith.index_cast %mul3A_401 : i32 to index
        %swap3A_404 = tpu.vector_load %arg9[%swap3A_402, %swap3A_403] {strides = array<i32>} : memref<8x1024xf32, #tpu.memory_space<vmem>>, vector<16xf32>,
        tpu.vector_store %arg9[%swap3A_402, %swap3A_403], %add3A_210 {strides = array<i32>} : memref<8x1024xf32, #tpu.memory_space<vmem>>, vector<16xf32>,
        %swap3A_405 = arith.constant 1 : i32
        %swap3A_406 = arith.index_cast %swap3A_405 : i32 to index
        %swap3A_407 = arith.index_cast %mul3A_401 : i32 to index
        %swap3A_408 = tpu.vector_load %arg9[%swap3A_406, %swap3A_407] {strides = array<i32>} : memref<8x1024xf32, #tpu.memory_space<vmem>>, vector<16xf32>,
        tpu.vector_store %arg9[%swap3A_406, %swap3A_407], %add3A_222 {strides = array<i32>} : memref<8x1024xf32, #tpu.memory_space<vmem>>, vector<16xf32>,
        %swap3A_409 = arith.constant 2 : i32
        %swap3A_410 = arith.index_cast %swap3A_409 : i32 to index
        %swap3A_411 = arith.index_cast %mul3A_401 : i32 to index
        %swap3A_412 = tpu.vector_load %arg9[%swap3A_410, %swap3A_411] {strides = array<i32>} : memref<8x1024xf32, #tpu.memory_space<vmem>>, vector<16xf32>,
        tpu.vector_store %arg9[%swap3A_410, %swap3A_411], %add3A_234 {strides = array<i32>} : memref<8x1024xf32, #tpu.memory_space<vmem>>, vector<16xf32>,
        %swap3A_413 = arith.constant 3 : i32
        %swap3A_414 = arith.index_cast %swap3A_413 : i32 to index
        %swap3A_415 = arith.index_cast %mul3A_401 : i32 to index
        %swap3A_416 = tpu.vector_load %arg9[%swap3A_414, %swap3A_415] {strides = array<i32>} : memref<8x1024xf32, #tpu.memory_space<vmem>>, vector<16xf32>,
        tpu.vector_store %arg9[%swap3A_414, %swap3A_415], %add3A_246 {strides = array<i32>} : memref<8x1024xf32, #tpu.memory_space<vmem>>, vector<16xf32>,
        %swap3A_417 = arith.constant 4 : i32
        %swap3A_418 = arith.index_cast %swap3A_417 : i32 to index
        %swap3A_419 = arith.index_cast %mul3A_401 : i32 to index
        %swap3A_420 = tpu.vector_load %arg9[%swap3A_418, %swap3A_419] {strides = array<i32>} : memref<8x1024xf32, #tpu.memory_space<vmem>>, vector<16xf32>,
        tpu.vector_store %arg9[%swap3A_418, %swap3A_419], %add3A_258 {strides = array<i32>} : memref<8x1024xf32, #tpu.memory_space<vmem>>, vector<16xf32>,
        %swap3A_421 = arith.constant 5 : i32
        %swap3A_422 = arith.index_cast %swap3A_421 : i32 to index
        %swap3A_423 = arith.index_cast %mul3A_401 : i32 to index
        %swap3A_424 = tpu.vector_load %arg9[%swap3A_422, %swap3A_423] {strides = array<i32>} : memref<8x1024xf32, #tpu.memory_space<vmem>>, vector<16xf32>,
        tpu.vector_store %arg9[%swap3A_422, %swap3A_423], %add3A_270 {strides = array<i32>} : memref<8x1024xf32, #tpu.memory_space<vmem>>, vector<16xf32>,
        %swap3A_425 = arith.constant 6 : i32
        %swap3A_426 = arith.index_cast %swap3A_425 : i32 to index
        %swap3A_427 = arith.index_cast %mul3A_401 : i32 to index
        %swap3A_428 = tpu.vector_load %arg9[%swap3A_426, %swap3A_427] {strides = array<i32>} : memref<8x1024xf32, #tpu.memory_space<vmem>>, vector<16xf32>,
        tpu.vector_store %arg9[%swap3A_426, %swap3A_427], %add3A_282 {strides = array<i32>} : memref<8x1024xf32, #tpu.memory_space<vmem>>, vector<16xf32>,
        %swap3A_429 = arith.constant 7 : i32
        %swap3A_430 = arith.index_cast %swap3A_429 : i32 to index
        %swap3A_431 = arith.index_cast %mul3A_401 : i32 to index
        %swap3A_432 = tpu.vector_load %arg9[%swap3A_430, %swap3A_431] {strides = array<i32>} : memref<8x1024xf32, #tpu.memory_space<vmem>>, vector<16xf32>,
        tpu.vector_store %arg9[%swap3A_430, %swap3A_431], %add3A_294 {strides = array<i32>} : memref<8x1024xf32, #tpu.memory_space<vmem>>, vector<16xf32>,
        %add3A_433 = arith.constant 1 : i32
        %add3A_434 = arith.addi %add3A_193, %add3A_433 : i32
        %mul3A_435 = arith.constant 16 : i32
        %mul3A_436 = arith.muli %add3A_434, %mul3A_435 : i32
        %swap3A_437 = arith.constant 0 : i32
        %swap3A_438 = arith.index_cast %swap3A_437 : i32 to index
        %swap3A_439 = arith.index_cast %mul3A_436 : i32 to index
        %swap3A_440 = tpu.vector_load %arg9[%swap3A_438, %swap3A_439] {strides = array<i32>} : memref<8x1024xf32, #tpu.memory_space<vmem>>, vector<16xf32>,
        tpu.vector_store %arg9[%swap3A_438, %swap3A_439], %add3A_313 {strides = array<i32>} : memref<8x1024xf32, #tpu.memory_space<vmem>>, vector<16xf32>,
        %swap3A_441 = arith.constant 1 : i32
        %swap3A_442 = arith.index_cast %swap3A_441 : i32 to index
        %swap3A_443 = arith.index_cast %mul3A_436 : i32 to index
        %swap3A_444 = tpu.vector_load %arg9[%swap3A_442, %swap3A_443] {strides = array<i32>} : memref<8x1024xf32, #tpu.memory_space<vmem>>, vector<16xf32>,
        tpu.vector_store %arg9[%swap3A_442, %swap3A_443], %add3A_325 {strides = array<i32>} : memref<8x1024xf32, #tpu.memory_space<vmem>>, vector<16xf32>,
        %swap3A_445 = arith.constant 2 : i32
        %swap3A_446 = arith.index_cast %swap3A_445 : i32 to index
        %swap3A_447 = arith.index_cast %mul3A_436 : i32 to index
        %swap3A_448 = tpu.vector_load %arg9[%swap3A_446, %swap3A_447] {strides = array<i32>} : memref<8x1024xf32, #tpu.memory_space<vmem>>, vector<16xf32>,
        tpu.vector_store %arg9[%swap3A_446, %swap3A_447], %add3A_337 {strides = array<i32>} : memref<8x1024xf32, #tpu.memory_space<vmem>>, vector<16xf32>,
        %swap3A_449 = arith.constant 3 : i32
        %swap3A_450 = arith.index_cast %swap3A_449 : i32 to index
        %swap3A_451 = arith.index_cast %mul3A_436 : i32 to index
        %swap3A_452 = tpu.vector_load %arg9[%swap3A_450, %swap3A_451] {strides = array<i32>} : memref<8x1024xf32, #tpu.memory_space<vmem>>, vector<16xf32>,
        tpu.vector_store %arg9[%swap3A_450, %swap3A_451], %add3A_349 {strides = array<i32>} : memref<8x1024xf32, #tpu.memory_space<vmem>>, vector<16xf32>,
        %swap3A_453 = arith.constant 4 : i32
        %swap3A_454 = arith.index_cast %swap3A_453 : i32 to index
        %swap3A_455 = arith.index_cast %mul3A_436 : i32 to index
        %swap3A_456 = tpu.vector_load %arg9[%swap3A_454, %swap3A_455] {strides = array<i32>} : memref<8x1024xf32, #tpu.memory_space<vmem>>, vector<16xf32>,
        tpu.vector_store %arg9[%swap3A_454, %swap3A_455], %add3A_361 {strides = array<i32>} : memref<8x1024xf32, #tpu.memory_space<vmem>>, vector<16xf32>,
        %swap3A_457 = arith.constant 5 : i32
        %swap3A_458 = arith.index_cast %swap3A_457 : i32 to index
        %swap3A_459 = arith.index_cast %mul3A_436 : i32 to index
        %swap3A_460 = tpu.vector_load %arg9[%swap3A_458, %swap3A_459] {strides = array<i32>} : memref<8x1024xf32, #tpu.memory_space<vmem>>, vector<16xf32>,
        tpu.vector_store %arg9[%swap3A_458, %swap3A_459], %add3A_373 {strides = array<i32>} : memref<8x1024xf32, #tpu.memory_space<vmem>>, vector<16xf32>,
        %swap3A_461 = arith.constant 6 : i32
        %swap3A_462 = arith.index_cast %swap3A_461 : i32 to index
        %swap3A_463 = arith.index_cast %mul3A_436 : i32 to index
        %swap3A_464 = tpu.vector_load %arg9[%swap3A_462, %swap3A_463] {strides = array<i32>} : memref<8x1024xf32, #tpu.memory_space<vmem>>, vector<16xf32>,
        tpu.vector_store %arg9[%swap3A_462, %swap3A_463], %add3A_385 {strides = array<i32>} : memref<8x1024xf32, #tpu.memory_space<vmem>>, vector<16xf32>,
        %swap3A_465 = arith.constant 7 : i32
        %swap3A_466 = arith.index_cast %swap3A_465 : i32 to index
        %swap3A_467 = arith.index_cast %mul3A_436 : i32 to index
        %swap3A_468 = tpu.vector_load %arg9[%swap3A_466, %swap3A_467] {strides = array<i32>} : memref<8x1024xf32, #tpu.memory_space<vmem>>, vector<16xf32>,
        tpu.vector_store %arg9[%swap3A_466, %swap3A_467], %add3A_397 {strides = array<i32>} : memref<8x1024xf32, #tpu.memory_space<vmem>>, vector<16xf32>,
      }
      %scan3A_104 = arith.constant 32 : i32
      %shift_right_arithmetic3A_105 = arith.constant 5 : i32
      %shift_right_arithmetic3A_106 = arith.shrsi %add3A_71, %shift_right_arithmetic3A_105 : i32
      %mul3A_107 = arith.constant 8 : i32
      %mul3A_108 = arith.muli %shift_right_arithmetic3A_106, %mul3A_107 : i32
      %and3A_109 = arith.constant 7 : i32
      %and3A_110 = arith.andi %add3A_71, %and3A_109 : i32
      %add3A_111 = arith.addi %mul3A_108, %and3A_110 : i32
      %mul3A_112 = arith.constant 64 : i32
      %mul3A_113 = arith.muli %add3A_111, %mul3A_112 : i32
      %add3A_114 = arith.addi %mul3A_113, %mul3A_20 : i32
      %shift_right_arithmetic3A_115 = arith.constant 3 : i32
      %shift_right_arithmetic3A_116 = arith.shrsi %add3A_71, %shift_right_arithmetic3A_115 : i32
      %and3A_117 = arith.constant 3 : i32
      %and3A_118 = arith.andi %shift_right_arithmetic3A_116, %and3A_117 : i32
      %mul3A_119 = arith.constant 1024 : i32
      %mul3A_120 = arith.muli %and3A_118, %mul3A_119 : i32
      %add3A_121 = arith.addi %mul3A_22, %mul3A_120 : i32
      %dma_start3A_122 = tpu.memref_slice %arg5[%add3A_114, %add3A_121] : memref<12800x16384xf32, #tpu.memory_space<hbm>> -> memref<8x1024xf32, #tpu.memory_space<hbm>>
      %dma_start3A_123 = tpu.memref_slice %arg5[%add3A_114, %add3A_121] : memref<12800x16384xf32, #tpu.memory_space<hbm>> -> memref<8x1024xf32, #tpu.memory_space<hbm>>
      tpu.enqueue_dma source(%arg9 : memref<8x1024xf32, #tpu.memory_space<vmem>>) target(%dma_start3A_123 : memref<8x1024xf32, #tpu.memory_space<hbm>>) target_semaphore(%arg15 : memref<!tpu.dma_semaphore, #tpu.memory_space<semaphore_mem>>)
      %add3A_124 = arith.constant 2 : i32
      %add3A_125 = arith.addi %add3A_71, %add3A_124 : i32
      %lt3A = arith.constant 800 : i32
      %lt3A_126 = arith.cmpi slt, %add3A_125, %lt3A : i32
      %convert_element_type3A_127 = arith.extui %lt3A_126 : i1 to i32
      %cond3A_128 = arith.constant 0 : i32
      %cond3A_129 = arith.cmpi ne, %convert_element_type3A_127, %cond3A_128 : i32
      scf.if %cond3A_129 {
        %add3A_189 = arith.constant 2 : i32
        %add3A_190 = arith.addi %add3A_71, %add3A_189 : i32
        %shift_right_arithmetic3A_191 = arith.constant 5 : i32
        %shift_right_arithmetic3A_192 = arith.shrsi %add3A_190, %shift_right_arithmetic3A_191 : i32
        %mul3A_193 = arith.constant 8 : i32
        %mul3A_194 = arith.muli %shift_right_arithmetic3A_192, %mul3A_193 : i32
        %and3A_195 = arith.constant 7 : i32
        %and3A_196 = arith.andi %add3A_190, %and3A_195 : i32
        %add3A_197 = arith.addi %mul3A_194, %and3A_196 : i32
        %mul3A_198 = arith.constant 64 : i32
        %mul3A_199 = arith.muli %add3A_197, %mul3A_198 : i32
        %add3A_200 = arith.addi %mul3A_199, %mul3A_20 : i32
        %shift_right_arithmetic3A_201 = arith.constant 3 : i32
        %shift_right_arithmetic3A_202 = arith.shrsi %add3A_190, %shift_right_arithmetic3A_201 : i32
        %and3A_203 = arith.constant 3 : i32
        %and3A_204 = arith.andi %shift_right_arithmetic3A_202, %and3A_203 : i32
        %mul3A_205 = arith.constant 1024 : i32
        %mul3A_206 = arith.muli %and3A_204, %mul3A_205 : i32
        %add3A_207 = arith.addi %mul3A_22, %mul3A_206 : i32
        %dma_start3A_208 = tpu.memref_slice %arg2[%add3A_200, %add3A_207] : memref<12800x16384xf32, #tpu.memory_space<hbm>> -> memref<8x1024xf32, #tpu.memory_space<hbm>>
        %dma_start3A_209 = tpu.memref_slice %arg2[%add3A_200, %add3A_207] : memref<12800x16384xf32, #tpu.memory_space<hbm>> -> memref<8x1024xf32, #tpu.memory_space<hbm>>
        tpu.enqueue_dma source(%dma_start3A_209 : memref<8x1024xf32, #tpu.memory_space<hbm>>) target(%arg7 : memref<8x1024xf32, #tpu.memory_space<vmem>>) target_semaphore(%arg13 : memref<!tpu.dma_semaphore, #tpu.memory_space<semaphore_mem>>)
      } else {
      }
      %add3A_130 = arith.constant 1 : i32
      %add3A_131 = arith.addi %add3A_69, %add3A_130 : i32
      %and3A_132 = arith.constant 7 : i32
      %and3A_133 = arith.andi %add3A_131, %and3A_132 : i32
      %shift_right_arithmetic3A_134 = arith.constant 5 : i32
      %shift_right_arithmetic3A_135 = arith.shrsi %add3A_131, %shift_right_arithmetic3A_134 : i32
      %mul3A_136 = arith.constant 8 : i32
      %mul3A_137 = arith.muli %shift_right_arithmetic3A_135, %mul3A_136 : i32
      %and3A_138 = arith.constant 7 : i32
      %and3A_139 = arith.andi %add3A_131, %and3A_138 : i32
      %add3A_140 = arith.addi %mul3A_137, %and3A_139 : i32
      %mul3A_141 = arith.constant 64 : i32
      %mul3A_142 = arith.muli %add3A_140, %mul3A_141 : i32
      %add3A_143 = arith.addi %mul3A_142, %mul3A_20 : i32
      %shift_right_arithmetic3A_144 = arith.constant 3 : i32
      %shift_right_arithmetic3A_145 = arith.shrsi %add3A_131, %shift_right_arithmetic3A_144 : i32
      %and3A_146 = arith.constant 3 : i32
      %and3A_147 = arith.andi %shift_right_arithmetic3A_145, %and3A_146 : i32
      %mul3A_148 = arith.constant 1024 : i32
      %mul3A_149 = arith.muli %and3A_147, %mul3A_148 : i32
      %add3A_150 = arith.addi %mul3A_22, %mul3A_149 : i32
      %dma_wait3A_151 = tpu.memref_slice %arg2[%add3A_143, %add3A_150] : memref<12800x16384xf32, #tpu.memory_space<hbm>> -> memref<8x1024xf32, #tpu.memory_space<hbm>>
      %dma_wait3A_152 = tpu.memref_slice %arg2[%add3A_143, %add3A_150] : memref<12800x16384xf32, #tpu.memory_space<hbm>> -> memref<8x1024xf32, #tpu.memory_space<hbm>>
      tpu.wait_dma2 semaphore(%arg14 : memref<!tpu.dma_semaphore, #tpu.memory_space<semaphore_mem>>) src(%dma_wait3A_152 : memref<8x1024xf32, #tpu.memory_space<hbm>>) dst(%arg8 : memref<8x1024xf32, #tpu.memory_space<vmem>>)
      %ge3A_153 = arith.constant 2 : i32
      %ge3A_154 = arith.cmpi sge, %add3A_131, %ge3A_153 : i32
      %convert_element_type3A_155 = arith.extui %ge3A_154 : i1 to i32
      %cond3A_156 = arith.constant 0 : i32
      %cond3A_157 = arith.cmpi ne, %convert_element_type3A_155, %cond3A_156 : i32
      scf.if %cond3A_157 {
        %sub3A_189 = arith.constant 2 : i32
        %sub3A_190 = arith.subi %add3A_131, %sub3A_189 : i32
        %shift_right_arithmetic3A_191 = arith.constant 5 : i32
        %shift_right_arithmetic3A_192 = arith.shrsi %sub3A_190, %shift_right_arithmetic3A_191 : i32
        %mul3A_193 = arith.constant 8 : i32
        %mul3A_194 = arith.muli %shift_right_arithmetic3A_192, %mul3A_193 : i32
        %and3A_195 = arith.constant 7 : i32
        %and3A_196 = arith.andi %sub3A_190, %and3A_195 : i32
        %add3A_197 = arith.addi %mul3A_194, %and3A_196 : i32
        %mul3A_198 = arith.constant 64 : i32
        %mul3A_199 = arith.muli %add3A_197, %mul3A_198 : i32
        %add3A_200 = arith.addi %mul3A_199, %mul3A_20 : i32
        %shift_right_arithmetic3A_201 = arith.constant 3 : i32
        %shift_right_arithmetic3A_202 = arith.shrsi %sub3A_190, %shift_right_arithmetic3A_201 : i32
        %and3A_203 = arith.constant 3 : i32
        %and3A_204 = arith.andi %shift_right_arithmetic3A_202, %and3A_203 : i32
        %mul3A_205 = arith.constant 1024 : i32
        %mul3A_206 = arith.muli %and3A_204, %mul3A_205 : i32
        %add3A_207 = arith.addi %mul3A_22, %mul3A_206 : i32
        %dma_wait3A_208 = tpu.memref_slice %arg5[%add3A_200, %add3A_207] : memref<12800x16384xf32, #tpu.memory_space<hbm>> -> memref<8x1024xf32, #tpu.memory_space<hbm>>
        %dma_wait3A_209 = tpu.memref_slice %arg5[%add3A_200, %add3A_207] : memref<12800x16384xf32, #tpu.memory_space<hbm>> -> memref<8x1024xf32, #tpu.memory_space<hbm>>
        tpu.wait_dma2 semaphore(%arg16 : memref<!tpu.dma_semaphore, #tpu.memory_space<semaphore_mem>>) src(%arg10 : memref<8x1024xf32, #tpu.memory_space<vmem>>) dst(%dma_wait3A_209 : memref<8x1024xf32, #tpu.memory_space<hbm>>)
      } else {
      }
      %scan3A_158 = arith.constant 0 : i32
      %scan3A_159 = arith.constant 32 : i32
      %scan3A_160 = arith.addi %scan3A_158, %scan3A_159 : i32
      %scan3A_161 = arith.constant 1 : i32
      scf.for %scan3A_189 = %scan3A_158 to %scan3A_160 step %scan3A_161  : i32 {
        %mul3A_190 = arith.constant 2 : i32
        %mul3A_191 = arith.muli %scan3A_189, %mul3A_190 : i32
        %add3A_192 = arith.constant 0 : i32
        %add3A_193 = arith.addi %add3A_192, %mul3A_191 : i32
        %add3A_194 = arith.constant 0 : i32
        %add3A_195 = arith.addi %add3A_193, %add3A_194 : i32
        %mul3A_196 = arith.constant 16 : i32
        %mul3A_197 = arith.muli %add3A_195, %mul3A_196 : i32
        %get3A = arith.index_cast %and3A_133 : i32 to index
        %get3A_198 = arith.index_cast %mul3A_197 : i32 to index
        %get3A_199 = tpu.vector_load %arg11[%get3A, %get3A_198] {strides = array<i32>} : memref<8x1024xi32, #tpu.memory_space<vmem>>, vector<16xi32>,
        %add3A_200 = arith.constant 0 : i32
        %add3A_201 = vector.broadcast %add3A_200 : i32 to vector<16xi32>
        %add3A_202 = arith.addi %get3A_199, %add3A_201 : vector<16xi32>
        %gather3A = tpu.vector_load_idx %arg6[%add3A_202] : memref<40960xf32, #tpu.memory_space<vmem>>[vector<16xi32>], vector<16xf32>,
        %get3A_203 = arith.constant 0 : i32
        %get3A_204 = arith.index_cast %get3A_203 : i32 to index
        %get3A_205 = arith.index_cast %mul3A_197 : i32 to index
        %get3A_206 = tpu.vector_load %arg8[%get3A_204, %get3A_205] {strides = array<i32>} : memref<8x1024xf32, #tpu.memory_space<vmem>>, vector<16xf32>,
        %mul3A_207 = arith.constant 8.000000e+00 : f32
        %mul3A_208 = vector.broadcast %mul3A_207 : f32 to vector<16xf32>
        %mul3A_209 = arith.mulf %get3A_206, %mul3A_208 : vector<16xf32>
        %add3A_210 = arith.addf %mul3A_209, %gather3A : vector<16xf32>
        %add3A_211 = arith.constant 5120 : i32
        %add3A_212 = vector.broadcast %add3A_211 : i32 to vector<16xi32>
        %add3A_213 = arith.addi %get3A_199, %add3A_212 : vector<16xi32>
        %gather3A_214 = tpu.vector_load_idx %arg6[%add3A_213] : memref<40960xf32, #tpu.memory_space<vmem>>[vector<16xi32>], vector<16xf32>,
        %get3A_215 = arith.constant 1 : i32
        %get3A_216 = arith.index_cast %get3A_215 : i32 to index
        %get3A_217 = arith.index_cast %mul3A_197 : i32 to index
        %get3A_218 = tpu.vector_load %arg8[%get3A_216, %get3A_217] {strides = array<i32>} : memref<8x1024xf32, #tpu.memory_space<vmem>>, vector<16xf32>,
        %mul3A_219 = arith.constant 8.000000e+00 : f32
        %mul3A_220 = vector.broadcast %mul3A_219 : f32 to vector<16xf32>
        %mul3A_221 = arith.mulf %get3A_218, %mul3A_220 : vector<16xf32>
        %add3A_222 = arith.addf %mul3A_221, %gather3A_214 : vector<16xf32>
        %add3A_223 = arith.constant 10240 : i32
        %add3A_224 = vector.broadcast %add3A_223 : i32 to vector<16xi32>
        %add3A_225 = arith.addi %get3A_199, %add3A_224 : vector<16xi32>
        %gather3A_226 = tpu.vector_load_idx %arg6[%add3A_225] : memref<40960xf32, #tpu.memory_space<vmem>>[vector<16xi32>], vector<16xf32>,
        %get3A_227 = arith.constant 2 : i32
        %get3A_228 = arith.index_cast %get3A_227 : i32 to index
        %get3A_229 = arith.index_cast %mul3A_197 : i32 to index
        %get3A_230 = tpu.vector_load %arg8[%get3A_228, %get3A_229] {strides = array<i32>} : memref<8x1024xf32, #tpu.memory_space<vmem>>, vector<16xf32>,
        %mul3A_231 = arith.constant 8.000000e+00 : f32
        %mul3A_232 = vector.broadcast %mul3A_231 : f32 to vector<16xf32>
        %mul3A_233 = arith.mulf %get3A_230, %mul3A_232 : vector<16xf32>
        %add3A_234 = arith.addf %mul3A_233, %gather3A_226 : vector<16xf32>
        %add3A_235 = arith.constant 15360 : i32
        %add3A_236 = vector.broadcast %add3A_235 : i32 to vector<16xi32>
        %add3A_237 = arith.addi %get3A_199, %add3A_236 : vector<16xi32>
        %gather3A_238 = tpu.vector_load_idx %arg6[%add3A_237] : memref<40960xf32, #tpu.memory_space<vmem>>[vector<16xi32>], vector<16xf32>,
        %get3A_239 = arith.constant 3 : i32
        %get3A_240 = arith.index_cast %get3A_239 : i32 to index
        %get3A_241 = arith.index_cast %mul3A_197 : i32 to index
        %get3A_242 = tpu.vector_load %arg8[%get3A_240, %get3A_241] {strides = array<i32>} : memref<8x1024xf32, #tpu.memory_space<vmem>>, vector<16xf32>,
        %mul3A_243 = arith.constant 8.000000e+00 : f32
        %mul3A_244 = vector.broadcast %mul3A_243 : f32 to vector<16xf32>
        %mul3A_245 = arith.mulf %get3A_242, %mul3A_244 : vector<16xf32>
        %add3A_246 = arith.addf %mul3A_245, %gather3A_238 : vector<16xf32>
        %add3A_247 = arith.constant 20480 : i32
        %add3A_248 = vector.broadcast %add3A_247 : i32 to vector<16xi32>
        %add3A_249 = arith.addi %get3A_199, %add3A_248 : vector<16xi32>
        %gather3A_250 = tpu.vector_load_idx %arg6[%add3A_249] : memref<40960xf32, #tpu.memory_space<vmem>>[vector<16xi32>], vector<16xf32>,
        %get3A_251 = arith.constant 4 : i32
        %get3A_252 = arith.index_cast %get3A_251 : i32 to index
        %get3A_253 = arith.index_cast %mul3A_197 : i32 to index
        %get3A_254 = tpu.vector_load %arg8[%get3A_252, %get3A_253] {strides = array<i32>} : memref<8x1024xf32, #tpu.memory_space<vmem>>, vector<16xf32>,
        %mul3A_255 = arith.constant 8.000000e+00 : f32
        %mul3A_256 = vector.broadcast %mul3A_255 : f32 to vector<16xf32>
        %mul3A_257 = arith.mulf %get3A_254, %mul3A_256 : vector<16xf32>
        %add3A_258 = arith.addf %mul3A_257, %gather3A_250 : vector<16xf32>
        %add3A_259 = arith.constant 25600 : i32
        %add3A_260 = vector.broadcast %add3A_259 : i32 to vector<16xi32>
        %add3A_261 = arith.addi %get3A_199, %add3A_260 : vector<16xi32>
        %gather3A_262 = tpu.vector_load_idx %arg6[%add3A_261] : memref<40960xf32, #tpu.memory_space<vmem>>[vector<16xi32>], vector<16xf32>,
        %get3A_263 = arith.constant 5 : i32
        %get3A_264 = arith.index_cast %get3A_263 : i32 to index
        %get3A_265 = arith.index_cast %mul3A_197 : i32 to index
        %get3A_266 = tpu.vector_load %arg8[%get3A_264, %get3A_265] {strides = array<i32>} : memref<8x1024xf32, #tpu.memory_space<vmem>>, vector<16xf32>,
        %mul3A_267 = arith.constant 8.000000e+00 : f32
        %mul3A_268 = vector.broadcast %mul3A_267 : f32 to vector<16xf32>
        %mul3A_269 = arith.mulf %get3A_266, %mul3A_268 : vector<16xf32>
        %add3A_270 = arith.addf %mul3A_269, %gather3A_262 : vector<16xf32>
        %add3A_271 = arith.constant 30720 : i32
        %add3A_272 = vector.broadcast %add3A_271 : i32 to vector<16xi32>
        %add3A_273 = arith.addi %get3A_199, %add3A_272 : vector<16xi32>
        %gather3A_274 = tpu.vector_load_idx %arg6[%add3A_273] : memref<40960xf32, #tpu.memory_space<vmem>>[vector<16xi32>], vector<16xf32>,
        %get3A_275 = arith.constant 6 : i32
        %get3A_276 = arith.index_cast %get3A_275 : i32 to index
        %get3A_277 = arith.index_cast %mul3A_197 : i32 to index
        %get3A_278 = tpu.vector_load %arg8[%get3A_276, %get3A_277] {strides = array<i32>} : memref<8x1024xf32, #tpu.memory_space<vmem>>, vector<16xf32>,
        %mul3A_279 = arith.constant 8.000000e+00 : f32
        %mul3A_280 = vector.broadcast %mul3A_279 : f32 to vector<16xf32>
        %mul3A_281 = arith.mulf %get3A_278, %mul3A_280 : vector<16xf32>
        %add3A_282 = arith.addf %mul3A_281, %gather3A_274 : vector<16xf32>
        %add3A_283 = arith.constant 35840 : i32
        %add3A_284 = vector.broadcast %add3A_283 : i32 to vector<16xi32>
        %add3A_285 = arith.addi %get3A_199, %add3A_284 : vector<16xi32>
        %gather3A_286 = tpu.vector_load_idx %arg6[%add3A_285] : memref<40960xf32, #tpu.memory_space<vmem>>[vector<16xi32>], vector<16xf32>,
        %get3A_287 = arith.constant 7 : i32
        %get3A_288 = arith.index_cast %get3A_287 : i32 to index
        %get3A_289 = arith.index_cast %mul3A_197 : i32 to index
        %get3A_290 = tpu.vector_load %arg8[%get3A_288, %get3A_289] {strides = array<i32>} : memref<8x1024xf32, #tpu.memory_space<vmem>>, vector<16xf32>,
        %mul3A_291 = arith.constant 8.000000e+00 : f32
        %mul3A_292 = vector.broadcast %mul3A_291 : f32 to vector<16xf32>
        %mul3A_293 = arith.mulf %get3A_290, %mul3A_292 : vector<16xf32>
        %add3A_294 = arith.addf %mul3A_293, %gather3A_286 : vector<16xf32>
        %add3A_295 = arith.constant 1 : i32
        %add3A_296 = arith.addi %add3A_193, %add3A_295 : i32
        %mul3A_297 = arith.constant 16 : i32
        %mul3A_298 = arith.muli %add3A_296, %mul3A_297 : i32
        %get3A_299 = arith.index_cast %and3A_133 : i32 to index
        %get3A_300 = arith.index_cast %mul3A_298 : i32 to index
        %get3A_301 = tpu.vector_load %arg11[%get3A_299, %get3A_300] {strides = array<i32>} : memref<8x1024xi32, #tpu.memory_space<vmem>>, vector<16xi32>,
        %add3A_302 = arith.constant 0 : i32
        %add3A_303 = vector.broadcast %add3A_302 : i32 to vector<16xi32>
        %add3A_304 = arith.addi %get3A_301, %add3A_303 : vector<16xi32>
        %gather3A_305 = tpu.vector_load_idx %arg6[%add3A_304] : memref<40960xf32, #tpu.memory_space<vmem>>[vector<16xi32>], vector<16xf32>,
        %get3A_306 = arith.constant 0 : i32
        %get3A_307 = arith.index_cast %get3A_306 : i32 to index
        %get3A_308 = arith.index_cast %mul3A_298 : i32 to index
        %get3A_309 = tpu.vector_load %arg8[%get3A_307, %get3A_308] {strides = array<i32>} : memref<8x1024xf32, #tpu.memory_space<vmem>>, vector<16xf32>,
        %mul3A_310 = arith.constant 8.000000e+00 : f32
        %mul3A_311 = vector.broadcast %mul3A_310 : f32 to vector<16xf32>
        %mul3A_312 = arith.mulf %get3A_309, %mul3A_311 : vector<16xf32>
        %add3A_313 = arith.addf %mul3A_312, %gather3A_305 : vector<16xf32>
        %add3A_314 = arith.constant 5120 : i32
        %add3A_315 = vector.broadcast %add3A_314 : i32 to vector<16xi32>
        %add3A_316 = arith.addi %get3A_301, %add3A_315 : vector<16xi32>
        %gather3A_317 = tpu.vector_load_idx %arg6[%add3A_316] : memref<40960xf32, #tpu.memory_space<vmem>>[vector<16xi32>], vector<16xf32>,
        %get3A_318 = arith.constant 1 : i32
        %get3A_319 = arith.index_cast %get3A_318 : i32 to index
        %get3A_320 = arith.index_cast %mul3A_298 : i32 to index
        %get3A_321 = tpu.vector_load %arg8[%get3A_319, %get3A_320] {strides = array<i32>} : memref<8x1024xf32, #tpu.memory_space<vmem>>, vector<16xf32>,
        %mul3A_322 = arith.constant 8.000000e+00 : f32
        %mul3A_323 = vector.broadcast %mul3A_322 : f32 to vector<16xf32>
        %mul3A_324 = arith.mulf %get3A_321, %mul3A_323 : vector<16xf32>
        %add3A_325 = arith.addf %mul3A_324, %gather3A_317 : vector<16xf32>
        %add3A_326 = arith.constant 10240 : i32
        %add3A_327 = vector.broadcast %add3A_326 : i32 to vector<16xi32>
        %add3A_328 = arith.addi %get3A_301, %add3A_327 : vector<16xi32>
        %gather3A_329 = tpu.vector_load_idx %arg6[%add3A_328] : memref<40960xf32, #tpu.memory_space<vmem>>[vector<16xi32>], vector<16xf32>,
        %get3A_330 = arith.constant 2 : i32
        %get3A_331 = arith.index_cast %get3A_330 : i32 to index
        %get3A_332 = arith.index_cast %mul3A_298 : i32 to index
        %get3A_333 = tpu.vector_load %arg8[%get3A_331, %get3A_332] {strides = array<i32>} : memref<8x1024xf32, #tpu.memory_space<vmem>>, vector<16xf32>,
        %mul3A_334 = arith.constant 8.000000e+00 : f32
        %mul3A_335 = vector.broadcast %mul3A_334 : f32 to vector<16xf32>
        %mul3A_336 = arith.mulf %get3A_333, %mul3A_335 : vector<16xf32>
        %add3A_337 = arith.addf %mul3A_336, %gather3A_329 : vector<16xf32>
        %add3A_338 = arith.constant 15360 : i32
        %add3A_339 = vector.broadcast %add3A_338 : i32 to vector<16xi32>
        %add3A_340 = arith.addi %get3A_301, %add3A_339 : vector<16xi32>
        %gather3A_341 = tpu.vector_load_idx %arg6[%add3A_340] : memref<40960xf32, #tpu.memory_space<vmem>>[vector<16xi32>], vector<16xf32>,
        %get3A_342 = arith.constant 3 : i32
        %get3A_343 = arith.index_cast %get3A_342 : i32 to index
        %get3A_344 = arith.index_cast %mul3A_298 : i32 to index
        %get3A_345 = tpu.vector_load %arg8[%get3A_343, %get3A_344] {strides = array<i32>} : memref<8x1024xf32, #tpu.memory_space<vmem>>, vector<16xf32>,
        %mul3A_346 = arith.constant 8.000000e+00 : f32
        %mul3A_347 = vector.broadcast %mul3A_346 : f32 to vector<16xf32>
        %mul3A_348 = arith.mulf %get3A_345, %mul3A_347 : vector<16xf32>
        %add3A_349 = arith.addf %mul3A_348, %gather3A_341 : vector<16xf32>
        %add3A_350 = arith.constant 20480 : i32
        %add3A_351 = vector.broadcast %add3A_350 : i32 to vector<16xi32>
        %add3A_352 = arith.addi %get3A_301, %add3A_351 : vector<16xi32>
        %gather3A_353 = tpu.vector_load_idx %arg6[%add3A_352] : memref<40960xf32, #tpu.memory_space<vmem>>[vector<16xi32>], vector<16xf32>,
        %get3A_354 = arith.constant 4 : i32
        %get3A_355 = arith.index_cast %get3A_354 : i32 to index
        %get3A_356 = arith.index_cast %mul3A_298 : i32 to index
        %get3A_357 = tpu.vector_load %arg8[%get3A_355, %get3A_356] {strides = array<i32>} : memref<8x1024xf32, #tpu.memory_space<vmem>>, vector<16xf32>,
        %mul3A_358 = arith.constant 8.000000e+00 : f32
        %mul3A_359 = vector.broadcast %mul3A_358 : f32 to vector<16xf32>
        %mul3A_360 = arith.mulf %get3A_357, %mul3A_359 : vector<16xf32>
        %add3A_361 = arith.addf %mul3A_360, %gather3A_353 : vector<16xf32>
        %add3A_362 = arith.constant 25600 : i32
        %add3A_363 = vector.broadcast %add3A_362 : i32 to vector<16xi32>
        %add3A_364 = arith.addi %get3A_301, %add3A_363 : vector<16xi32>
        %gather3A_365 = tpu.vector_load_idx %arg6[%add3A_364] : memref<40960xf32, #tpu.memory_space<vmem>>[vector<16xi32>], vector<16xf32>,
        %get3A_366 = arith.constant 5 : i32
        %get3A_367 = arith.index_cast %get3A_366 : i32 to index
        %get3A_368 = arith.index_cast %mul3A_298 : i32 to index
        %get3A_369 = tpu.vector_load %arg8[%get3A_367, %get3A_368] {strides = array<i32>} : memref<8x1024xf32, #tpu.memory_space<vmem>>, vector<16xf32>,
        %mul3A_370 = arith.constant 8.000000e+00 : f32
        %mul3A_371 = vector.broadcast %mul3A_370 : f32 to vector<16xf32>
        %mul3A_372 = arith.mulf %get3A_369, %mul3A_371 : vector<16xf32>
        %add3A_373 = arith.addf %mul3A_372, %gather3A_365 : vector<16xf32>
        %add3A_374 = arith.constant 30720 : i32
        %add3A_375 = vector.broadcast %add3A_374 : i32 to vector<16xi32>
        %add3A_376 = arith.addi %get3A_301, %add3A_375 : vector<16xi32>
        %gather3A_377 = tpu.vector_load_idx %arg6[%add3A_376] : memref<40960xf32, #tpu.memory_space<vmem>>[vector<16xi32>], vector<16xf32>,
        %get3A_378 = arith.constant 6 : i32
        %get3A_379 = arith.index_cast %get3A_378 : i32 to index
        %get3A_380 = arith.index_cast %mul3A_298 : i32 to index
        %get3A_381 = tpu.vector_load %arg8[%get3A_379, %get3A_380] {strides = array<i32>} : memref<8x1024xf32, #tpu.memory_space<vmem>>, vector<16xf32>,
        %mul3A_382 = arith.constant 8.000000e+00 : f32
        %mul3A_383 = vector.broadcast %mul3A_382 : f32 to vector<16xf32>
        %mul3A_384 = arith.mulf %get3A_381, %mul3A_383 : vector<16xf32>
        %add3A_385 = arith.addf %mul3A_384, %gather3A_377 : vector<16xf32>
        %add3A_386 = arith.constant 35840 : i32
        %add3A_387 = vector.broadcast %add3A_386 : i32 to vector<16xi32>
        %add3A_388 = arith.addi %get3A_301, %add3A_387 : vector<16xi32>
        %gather3A_389 = tpu.vector_load_idx %arg6[%add3A_388] : memref<40960xf32, #tpu.memory_space<vmem>>[vector<16xi32>], vector<16xf32>,
        %get3A_390 = arith.constant 7 : i32
        %get3A_391 = arith.index_cast %get3A_390 : i32 to index
        %get3A_392 = arith.index_cast %mul3A_298 : i32 to index
        %get3A_393 = tpu.vector_load %arg8[%get3A_391, %get3A_392] {strides = array<i32>} : memref<8x1024xf32, #tpu.memory_space<vmem>>, vector<16xf32>,
        %mul3A_394 = arith.constant 8.000000e+00 : f32
        %mul3A_395 = vector.broadcast %mul3A_394 : f32 to vector<16xf32>
        %mul3A_396 = arith.mulf %get3A_393, %mul3A_395 : vector<16xf32>
        %add3A_397 = arith.addf %mul3A_396, %gather3A_389 : vector<16xf32>
        %add3A_398 = arith.constant 0 : i32
        %add3A_399 = arith.addi %add3A_193, %add3A_398 : i32
        %mul3A_400 = arith.constant 16 : i32
        %mul3A_401 = arith.muli %add3A_399, %mul3A_400 : i32
        %swap3A = arith.constant 0 : i32
        %swap3A_402 = arith.index_cast %swap3A : i32 to index
        %swap3A_403 = arith.index_cast %mul3A_401 : i32 to index
        %swap3A_404 = tpu.vector_load %arg10[%swap3A_402, %swap3A_403] {strides = array<i32>} : memref<8x1024xf32, #tpu.memory_space<vmem>>, vector<16xf32>,
        tpu.vector_store %arg10[%swap3A_402, %swap3A_403], %add3A_210 {strides = array<i32>} : memref<8x1024xf32, #tpu.memory_space<vmem>>, vector<16xf32>,
        %swap3A_405 = arith.constant 1 : i32
        %swap3A_406 = arith.index_cast %swap3A_405 : i32 to index
        %swap3A_407 = arith.index_cast %mul3A_401 : i32 to index
        %swap3A_408 = tpu.vector_load %arg10[%swap3A_406, %swap3A_407] {strides = array<i32>} : memref<8x1024xf32, #tpu.memory_space<vmem>>, vector<16xf32>,
        tpu.vector_store %arg10[%swap3A_406, %swap3A_407], %add3A_222 {strides = array<i32>} : memref<8x1024xf32, #tpu.memory_space<vmem>>, vector<16xf32>,
        %swap3A_409 = arith.constant 2 : i32
        %swap3A_410 = arith.index_cast %swap3A_409 : i32 to index
        %swap3A_411 = arith.index_cast %mul3A_401 : i32 to index
        %swap3A_412 = tpu.vector_load %arg10[%swap3A_410, %swap3A_411] {strides = array<i32>} : memref<8x1024xf32, #tpu.memory_space<vmem>>, vector<16xf32>,
        tpu.vector_store %arg10[%swap3A_410, %swap3A_411], %add3A_234 {strides = array<i32>} : memref<8x1024xf32, #tpu.memory_space<vmem>>, vector<16xf32>,
        %swap3A_413 = arith.constant 3 : i32
        %swap3A_414 = arith.index_cast %swap3A_413 : i32 to index
        %swap3A_415 = arith.index_cast %mul3A_401 : i32 to index
        %swap3A_416 = tpu.vector_load %arg10[%swap3A_414, %swap3A_415] {strides = array<i32>} : memref<8x1024xf32, #tpu.memory_space<vmem>>, vector<16xf32>,
        tpu.vector_store %arg10[%swap3A_414, %swap3A_415], %add3A_246 {strides = array<i32>} : memref<8x1024xf32, #tpu.memory_space<vmem>>, vector<16xf32>,
        %swap3A_417 = arith.constant 4 : i32
        %swap3A_418 = arith.index_cast %swap3A_417 : i32 to index
        %swap3A_419 = arith.index_cast %mul3A_401 : i32 to index
        %swap3A_420 = tpu.vector_load %arg10[%swap3A_418, %swap3A_419] {strides = array<i32>} : memref<8x1024xf32, #tpu.memory_space<vmem>>, vector<16xf32>,
        tpu.vector_store %arg10[%swap3A_418, %swap3A_419], %add3A_258 {strides = array<i32>} : memref<8x1024xf32, #tpu.memory_space<vmem>>, vector<16xf32>,
        %swap3A_421 = arith.constant 5 : i32
        %swap3A_422 = arith.index_cast %swap3A_421 : i32 to index
        %swap3A_423 = arith.index_cast %mul3A_401 : i32 to index
        %swap3A_424 = tpu.vector_load %arg10[%swap3A_422, %swap3A_423] {strides = array<i32>} : memref<8x1024xf32, #tpu.memory_space<vmem>>, vector<16xf32>,
        tpu.vector_store %arg10[%swap3A_422, %swap3A_423], %add3A_270 {strides = array<i32>} : memref<8x1024xf32, #tpu.memory_space<vmem>>, vector<16xf32>,
        %swap3A_425 = arith.constant 6 : i32
        %swap3A_426 = arith.index_cast %swap3A_425 : i32 to index
        %swap3A_427 = arith.index_cast %mul3A_401 : i32 to index
        %swap3A_428 = tpu.vector_load %arg10[%swap3A_426, %swap3A_427] {strides = array<i32>} : memref<8x1024xf32, #tpu.memory_space<vmem>>, vector<16xf32>,
        tpu.vector_store %arg10[%swap3A_426, %swap3A_427], %add3A_282 {strides = array<i32>} : memref<8x1024xf32, #tpu.memory_space<vmem>>, vector<16xf32>,
        %swap3A_429 = arith.constant 7 : i32
        %swap3A_430 = arith.index_cast %swap3A_429 : i32 to index
        %swap3A_431 = arith.index_cast %mul3A_401 : i32 to index
        %swap3A_432 = tpu.vector_load %arg10[%swap3A_430, %swap3A_431] {strides = array<i32>} : memref<8x1024xf32, #tpu.memory_space<vmem>>, vector<16xf32>,
        tpu.vector_store %arg10[%swap3A_430, %swap3A_431], %add3A_294 {strides = array<i32>} : memref<8x1024xf32, #tpu.memory_space<vmem>>, vector<16xf32>,
        %add3A_433 = arith.constant 1 : i32
        %add3A_434 = arith.addi %add3A_193, %add3A_433 : i32
        %mul3A_435 = arith.constant 16 : i32
        %mul3A_436 = arith.muli %add3A_434, %mul3A_435 : i32
        %swap3A_437 = arith.constant 0 : i32
        %swap3A_438 = arith.index_cast %swap3A_437 : i32 to index
        %swap3A_439 = arith.index_cast %mul3A_436 : i32 to index
        %swap3A_440 = tpu.vector_load %arg10[%swap3A_438, %swap3A_439] {strides = array<i32>} : memref<8x1024xf32, #tpu.memory_space<vmem>>, vector<16xf32>,
        tpu.vector_store %arg10[%swap3A_438, %swap3A_439], %add3A_313 {strides = array<i32>} : memref<8x1024xf32, #tpu.memory_space<vmem>>, vector<16xf32>,
        %swap3A_441 = arith.constant 1 : i32
        %swap3A_442 = arith.index_cast %swap3A_441 : i32 to index
        %swap3A_443 = arith.index_cast %mul3A_436 : i32 to index
        %swap3A_444 = tpu.vector_load %arg10[%swap3A_442, %swap3A_443] {strides = array<i32>} : memref<8x1024xf32, #tpu.memory_space<vmem>>, vector<16xf32>,
        tpu.vector_store %arg10[%swap3A_442, %swap3A_443], %add3A_325 {strides = array<i32>} : memref<8x1024xf32, #tpu.memory_space<vmem>>, vector<16xf32>,
        %swap3A_445 = arith.constant 2 : i32
        %swap3A_446 = arith.index_cast %swap3A_445 : i32 to index
        %swap3A_447 = arith.index_cast %mul3A_436 : i32 to index
        %swap3A_448 = tpu.vector_load %arg10[%swap3A_446, %swap3A_447] {strides = array<i32>} : memref<8x1024xf32, #tpu.memory_space<vmem>>, vector<16xf32>,
        tpu.vector_store %arg10[%swap3A_446, %swap3A_447], %add3A_337 {strides = array<i32>} : memref<8x1024xf32, #tpu.memory_space<vmem>>, vector<16xf32>,
        %swap3A_449 = arith.constant 3 : i32
        %swap3A_450 = arith.index_cast %swap3A_449 : i32 to index
        %swap3A_451 = arith.index_cast %mul3A_436 : i32 to index
        %swap3A_452 = tpu.vector_load %arg10[%swap3A_450, %swap3A_451] {strides = array<i32>} : memref<8x1024xf32, #tpu.memory_space<vmem>>, vector<16xf32>,
        tpu.vector_store %arg10[%swap3A_450, %swap3A_451], %add3A_349 {strides = array<i32>} : memref<8x1024xf32, #tpu.memory_space<vmem>>, vector<16xf32>,
        %swap3A_453 = arith.constant 4 : i32
        %swap3A_454 = arith.index_cast %swap3A_453 : i32 to index
        %swap3A_455 = arith.index_cast %mul3A_436 : i32 to index
        %swap3A_456 = tpu.vector_load %arg10[%swap3A_454, %swap3A_455] {strides = array<i32>} : memref<8x1024xf32, #tpu.memory_space<vmem>>, vector<16xf32>,
        tpu.vector_store %arg10[%swap3A_454, %swap3A_455], %add3A_361 {strides = array<i32>} : memref<8x1024xf32, #tpu.memory_space<vmem>>, vector<16xf32>,
        %swap3A_457 = arith.constant 5 : i32
        %swap3A_458 = arith.index_cast %swap3A_457 : i32 to index
        %swap3A_459 = arith.index_cast %mul3A_436 : i32 to index
        %swap3A_460 = tpu.vector_load %arg10[%swap3A_458, %swap3A_459] {strides = array<i32>} : memref<8x1024xf32, #tpu.memory_space<vmem>>, vector<16xf32>,
        tpu.vector_store %arg10[%swap3A_458, %swap3A_459], %add3A_373 {strides = array<i32>} : memref<8x1024xf32, #tpu.memory_space<vmem>>, vector<16xf32>,
        %swap3A_461 = arith.constant 6 : i32
        %swap3A_462 = arith.index_cast %swap3A_461 : i32 to index
        %swap3A_463 = arith.index_cast %mul3A_436 : i32 to index
        %swap3A_464 = tpu.vector_load %arg10[%swap3A_462, %swap3A_463] {strides = array<i32>} : memref<8x1024xf32, #tpu.memory_space<vmem>>, vector<16xf32>,
        tpu.vector_store %arg10[%swap3A_462, %swap3A_463], %add3A_385 {strides = array<i32>} : memref<8x1024xf32, #tpu.memory_space<vmem>>, vector<16xf32>,
        %swap3A_465 = arith.constant 7 : i32
        %swap3A_466 = arith.index_cast %swap3A_465 : i32 to index
        %swap3A_467 = arith.index_cast %mul3A_436 : i32 to index
        %swap3A_468 = tpu.vector_load %arg10[%swap3A_466, %swap3A_467] {strides = array<i32>} : memref<8x1024xf32, #tpu.memory_space<vmem>>, vector<16xf32>,
        tpu.vector_store %arg10[%swap3A_466, %swap3A_467], %add3A_397 {strides = array<i32>} : memref<8x1024xf32, #tpu.memory_space<vmem>>, vector<16xf32>,
      }
      %scan3A_162 = arith.constant 32 : i32
      %shift_right_arithmetic3A_163 = arith.constant 5 : i32
      %shift_right_arithmetic3A_164 = arith.shrsi %add3A_131, %shift_right_arithmetic3A_163 : i32
      %mul3A_165 = arith.constant 8 : i32
      %mul3A_166 = arith.muli %shift_right_arithmetic3A_164, %mul3A_165 : i32
      %and3A_167 = arith.constant 7 : i32
      %and3A_168 = arith.andi %add3A_131, %and3A_167 : i32
      %add3A_169 = arith.addi %mul3A_166, %and3A_168 : i32
      %mul3A_170 = arith.constant 64 : i32
      %mul3A_171 = arith.muli %add3A_169, %mul3A_170 : i32
      %add3A_172 = arith.addi %mul3A_171, %mul3A_20 : i32
      %shift_right_arithmetic3A_173 = arith.constant 3 : i32
      %shift_right_arithmetic3A_174 = arith.shrsi %add3A_131, %shift_right_arithmetic3A_173 : i32
      %and3A_175 = arith.constant 3 : i32
      %and3A_176 = arith.andi %shift_right_arithmetic3A_174, %and3A_175 : i32
      %mul3A_177 = arith.constant 1024 : i32
      %mul3A_178 = arith.muli %and3A_176, %mul3A_177 : i32
      %add3A_179 = arith.addi %mul3A_22, %mul3A_178 : i32
      %dma_start3A_180 = tpu.memref_slice %arg5[%add3A_172, %add3A_179] : memref<12800x16384xf32, #tpu.memory_space<hbm>> -> memref<8x1024xf32, #tpu.memory_space<hbm>>
      %dma_start3A_181 = tpu.memref_slice %arg5[%add3A_172, %add3A_179] : memref<12800x16384xf32, #tpu.memory_space<hbm>> -> memref<8x1024xf32, #tpu.memory_space<hbm>>
      tpu.enqueue_dma source(%arg10 : memref<8x1024xf32, #tpu.memory_space<vmem>>) target(%dma_start3A_181 : memref<8x1024xf32, #tpu.memory_space<hbm>>) target_semaphore(%arg16 : memref<!tpu.dma_semaphore, #tpu.memory_space<semaphore_mem>>)
      %add3A_182 = arith.constant 2 : i32
      %add3A_183 = arith.addi %add3A_131, %add3A_182 : i32
      %lt3A_184 = arith.constant 800 : i32
      %lt3A_185 = arith.cmpi slt, %add3A_183, %lt3A_184 : i32
      %convert_element_type3A_186 = arith.extui %lt3A_185 : i1 to i32
      %cond3A_187 = arith.constant 0 : i32
      %cond3A_188 = arith.cmpi ne, %convert_element_type3A_186, %cond3A_187 : i32
      scf.if %cond3A_188 {
        %add3A_189 = arith.constant 2 : i32
        %add3A_190 = arith.addi %add3A_131, %add3A_189 : i32
        %shift_right_arithmetic3A_191 = arith.constant 5 : i32
        %shift_right_arithmetic3A_192 = arith.shrsi %add3A_190, %shift_right_arithmetic3A_191 : i32
        %mul3A_193 = arith.constant 8 : i32
        %mul3A_194 = arith.muli %shift_right_arithmetic3A_192, %mul3A_193 : i32
        %and3A_195 = arith.constant 7 : i32
        %and3A_196 = arith.andi %add3A_190, %and3A_195 : i32
        %add3A_197 = arith.addi %mul3A_194, %and3A_196 : i32
        %mul3A_198 = arith.constant 64 : i32
        %mul3A_199 = arith.muli %add3A_197, %mul3A_198 : i32
        %add3A_200 = arith.addi %mul3A_199, %mul3A_20 : i32
        %shift_right_arithmetic3A_201 = arith.constant 3 : i32
        %shift_right_arithmetic3A_202 = arith.shrsi %add3A_190, %shift_right_arithmetic3A_201 : i32
        %and3A_203 = arith.constant 3 : i32
        %and3A_204 = arith.andi %shift_right_arithmetic3A_202, %and3A_203 : i32
        %mul3A_205 = arith.constant 1024 : i32
        %mul3A_206 = arith.muli %and3A_204, %mul3A_205 : i32
        %add3A_207 = arith.addi %mul3A_22, %mul3A_206 : i32
        %dma_start3A_208 = tpu.memref_slice %arg2[%add3A_200, %add3A_207] : memref<12800x16384xf32, #tpu.memory_space<hbm>> -> memref<8x1024xf32, #tpu.memory_space<hbm>>
        %dma_start3A_209 = tpu.memref_slice %arg2[%add3A_200, %add3A_207] : memref<12800x16384xf32, #tpu.memory_space<hbm>> -> memref<8x1024xf32, #tpu.memory_space<hbm>>
        tpu.enqueue_dma source(%dma_start3A_209 : memref<8x1024xf32, #tpu.memory_space<hbm>>) target(%arg8 : memref<8x1024xf32, #tpu.memory_space<vmem>>) target_semaphore(%arg14 : memref<!tpu.dma_semaphore, #tpu.memory_space<semaphore_mem>>)
      } else {
      }
    }
    %scan3A_52 = arith.constant 400 : i32
    %add3A_53 = arith.constant 12672 : i32
    %add3A_54 = arith.addi %add3A_53, %mul3A_20 : i32
    %add3A_55 = arith.constant 3072 : i32
    %add3A_56 = arith.addi %mul3A_22, %add3A_55 : i32
    %dma_wait3A_57 = tpu.memref_slice %arg5[%add3A_54, %add3A_56] : memref<12800x16384xf32, #tpu.memory_space<hbm>> -> memref<8x1024xf32, #tpu.memory_space<hbm>>
    %dma_wait3A_58 = tpu.memref_slice %arg5[%add3A_54, %add3A_56] : memref<12800x16384xf32, #tpu.memory_space<hbm>> -> memref<8x1024xf32, #tpu.memory_space<hbm>>
    tpu.wait_dma2 semaphore(%arg15 : memref<!tpu.dma_semaphore, #tpu.memory_space<semaphore_mem>>) src(%arg9 : memref<8x1024xf32, #tpu.memory_space<vmem>>) dst(%dma_wait3A_58 : memref<8x1024xf32, #tpu.memory_space<hbm>>)
    %add3A_59 = arith.constant 12736 : i32
    %add3A_60 = arith.addi %add3A_59, %mul3A_20 : i32
    %add3A_61 = arith.constant 3072 : i32
    %add3A_62 = arith.addi %mul3A_22, %add3A_61 : i32
    %dma_wait3A_63 = tpu.memref_slice %arg5[%add3A_60, %add3A_62] : memref<12800x16384xf32, #tpu.memory_space<hbm>> -> memref<8x1024xf32, #tpu.memory_space<hbm>>
    %dma_wait3A_64 = tpu.memref_slice %arg5[%add3A_60, %add3A_62] : memref<12800x16384xf32, #tpu.memory_space<hbm>> -> memref<8x1024xf32, #tpu.memory_space<hbm>>
    tpu.wait_dma2 semaphore(%arg16 : memref<!tpu.dma_semaphore, #tpu.memory_space<semaphore_mem>>) src(%arg10 : memref<8x1024xf32, #tpu.memory_space<vmem>>) dst(%dma_wait3A_64 : memref<8x1024xf32, #tpu.memory_space<hbm>>)
    return
  }
}

</mosaic_0001>

<sc_bundles>
// kernel: kernel.3.cloned.1.call-start
scs
__scs_entry_jumppad:
0x0: {  	(pc) =	sbr.rel $0x88, $3  }
0x1: {  	(tag) =	ssettag $0x0;
	lr =	simm.s32 $0x1  }
0x2: {  	[smem:$0x3F9E] =	sst lr;
	_ =	strace $0xD0000000  }
0x3: {  	_ = 	snop  }
0x4: {  	_ = 	snop  }
0x5: {  	_ = 	snop  }
0x6: {  	_ = 	snop  }
0x7: {  	_ = 	snop  }
__scs_overlays_trampoline_lowered:
0x8: {  	[smem:$0x3FAD] =	sst s0  }
0x9: {  	[smem:$0x3FAE] =	sst s1  }
0xa: {  	[smem:$0x3FAF] =	sst s2  }
0xb: {  	[smem:$0x3FB0] =	sst s3  }
0xc: {  	[smem:$0x3FB1] =	sst s4  }
0xd: {  	[smem:$0x3FB2] =	sst s5  }
0xe: {  	[smem:$0x3FB3] =	sst s6  }
0xf: {  	[smem:$0x3FB4] =	sst s7  }
0x10: {  	[smem:$0x3FB5] =	sst s8  }
0x11: {  	[smem:$0x3FB6] =	sst s9;
	s0 =	simm.s32 @!p0 $0x0  }
0x12: {  	s1 =	sld [smem:$0x3F9C];
	s0 =	simm.s32 @p0 $0x1  }
0x13: {  	[smem:$0x3FB7] =	sst s0;
	s0 =	simm.s32 @!p1 $0x0  }
0x14: {  	s2 =	sld [smem:$0x3F9B];
	s0 =	simm.s32 @p1 $0x1  }
0x15: {  	[smem:$0x3FB8] =	sst s0;
	s0 =	simm.s32 @!p2 $0x0  }
0x16: {  	s3 =	sld [smem:$0x3FDB];
	s0 =	simm.s32 @p2 $0x1  }
0x17: {  	s4 =	simm.s32 $0x1BF5;
	[smem:$0x3FBA] =	sst s0  }
0x18: {  	s0 =	sld [smem:$0x3F9D];
	_ =	swait.ge [sflag:s4], $0x0  }
0x19: {  	s7 =	sld [smem:$0x3F9E]  }
0x1a: {  	s8 =	sadd.s32 $0xFFFFE003, lr  }
0x1b: {  	s9 =	sadd.s32 $0xFFFFFEF7, lr;
	s5 =	simm.s32 $0xFFFFFFFF;
	p2 =	slt.u32 s8, $0xFFFFF086  }
0x1c: {  	p1 =	slt.u32 s9, $0xF7A;
	s5 =	simm.s32 @!p2 $0x0  }
0x1d: {  	s5 =	simm.s32 @p1 $0x1;
	p0 =	seq.s32 s7, s2  }
0x1e: {  	s7 =	smul.u32 @!p0 $0xF7A, s2;
	p2 =	seq.s32 @!p0 s5, $0x0  }
0x1f: {  	s9 =	smul.u32 $0xF7A, s1;
	s8 =	simm.s32 @!p0 $0x1BF5;
	p2 =	por !p2, p0  }
0x20: {  	[sflag:s8] =	ssyncset.s32 @!p0 $0xFFFFF086;
	s6 =	sadd.s32 @!p0 s3, s7;
	s7 =	simm.s32 @!p0 $0x108  }
0x21: {  	s3 =	sadd.s32 s3, s9;
	s6 =	sadd.s32 @!p0 $0x88, s6;
	s7 =	simm.s32 @p2 $0x1082  }
0x22: {  	[simem:s7], [sflag:s8] =	dma.local @!p0 [hbm:s6], $0xF7A  }
0x23: {  	s9 =	sor.u32 $0xD0000000, s2;
	s6 =	simm.s32 $0x108;
	_ =	swait.ge @!p0 [sflag:s8], $0x0  }
0x24: {  	s3 =	sadd.s32 $0x88, s3;
	s6 =	simm.s32 @!p1 $0x1082;
	[sflag:s4] =	ssyncset.s32 $0xFFFFF086  }
0x25: {  	[simem:s6], [sflag:s4] =	dma.local [hbm:s3], $0xF7A  }
0x26: {  	[smem:$0x3F9E] =	sst s1;
	(tag) =	ssettag s2;
	_ =	strace s9  }
0x27: {  	s1 =	sld [smem:$0x3FAE]  }
0x28: {  	s2 =	sld [smem:$0x3FAF]  }
0x29: {  	s4 =	sld [smem:$0x3FB1]  }
0x2a: {  	p0 =	seq.s32 s5, $0x0;
	s5 =	sld [smem:$0x3FB2]  }
0x2b: {  	s6 =	sld [smem:$0x3FB3]  }
0x2c: {  	s7 =	sld [smem:$0x3FB4]  }
0x2d: {  	s3 =	simm.s32 $0x108;
	s8 =	sld [smem:$0x3FB5]  }
0x2e: {  	s3 =	simm.s32 @!p0 $0x1082;
	s9 =	sld [smem:$0x3FB6]  }
0x2f: {  	lr =	sadd.s32 s0, s3;
	s0 =	sld [smem:$0x3FAD]  }
0x30: {  	s3 =	sld [smem:$0x3FB0]  }
0x31: {  	[smem:$0x3FB9] =	sst s10  }
0x32: {  	s10 =	sld [smem:$0x3FB7];
	_ =	sdelay $0x3  }
0x33: {  	p0 =	seq.s32 s10, $0x1;
	s10 =	sld [smem:$0x3FB9];
	_ =	sdelay $0x3  }
0x34: {  	[smem:$0x3FB9] =	sst s10  }
0x35: {  	s10 =	sld [smem:$0x3FB8];
	_ =	sdelay $0x3  }
0x36: {  	p1 =	seq.s32 s10, $0x1;
	s10 =	sld [smem:$0x3FB9];
	_ =	sdelay $0x3  }
0x37: {  	[smem:$0x3FB9] =	sst s10  }
0x38: {  	s10 =	sld [smem:$0x3FBA]  }
0x39: {  	_ = 	snop;
	(pc) =	sbr.ind lr, $3  }
0x3a: {  	_ = 	snop  }
0x3b: {  	_ = 	snop  }
0x3c: {  	p2 =	seq.s32 s10, $0x1;
	s10 =	sld [smem:$0x3FB9]  }
0x3d: {  	_ =	shalt  }
0x3e: {  	_ =	shalt  }
0x3f: {  	_ =	shalt  }
0x40: {  	_ =	shalt  }
0x41: {  	_ =	shalt  }
0x42: {  	_ =	shalt  }
0x43: {  	_ =	shalt  }
0x44: {  	_ =	shalt  }
0x45: {  	_ =	shalt  }
0x46: {  	_ =	shalt  }
0x47: {  	_ =	shalt  }
0x48: {  	_ =	shalt  }
0x49: {  	_ =	shalt  }
0x4a: {  	_ =	shalt  }
0x4b: {  	_ =	shalt  }
0x4c: {  	_ =	shalt  }
0x4d: {  	_ =	shalt  }
0x4e: {  	_ =	shalt  }
0x4f: {  	_ =	shalt  }
0x50: {  	_ =	shalt  }
0x51: {  	_ =	shalt  }
0x52: {  	_ =	shalt  }
0x53: {  	_ =	shalt  }
0x54: {  	_ =	shalt  }
0x55: {  	_ =	shalt  }
0x56: {  	_ =	shalt  }
0x57: {  	_ =	shalt  }
0x58: {  	_ =	shalt  }
0x59: {  	_ =	shalt  }
0x5a: {  	_ =	shalt  }
0x5b: {  	_ =	shalt  }
0x5c: {  	_ =	shalt  }
0x5d: {  	_ =	shalt  }
0x5e: {  	_ =	shalt  }
0x5f: {  	_ =	shalt  }
0x60: {  	_ =	shalt  }
0x61: {  	_ =	shalt  }
0x62: {  	_ =	shalt  }
0x63: {  	_ =	shalt  }
0x64: {  	_ =	shalt  }
0x65: {  	_ =	shalt  }
0x66: {  	_ =	shalt  }
0x67: {  	_ =	shalt  }
0x68: {  	_ =	shalt  }
0x69: {  	_ =	shalt  }
0x6a: {  	_ =	shalt  }
0x6b: {  	_ =	shalt  }
0x6c: {  	_ =	shalt  }
0x6d: {  	_ =	shalt  }
0x6e: {  	_ =	shalt  }
0x6f: {  	_ =	shalt  }
0x70: {  	_ =	shalt  }
0x71: {  	_ =	shalt  }
0x72: {  	_ =	shalt  }
0x73: {  	_ =	shalt  }
0x74: {  	_ =	shalt  }
0x75: {  	_ =	shalt  }
0x76: {  	_ =	shalt  }
0x77: {  	_ =	shalt  }
0x78: {  	_ =	shalt  }
0x79: {  	_ =	shalt  }
0x7a: {  	_ =	shalt  }
0x7b: {  	_ =	shalt  }
0x7c: {  	_ =	shalt  }
0x7d: {  	_ =	shalt  }
0x7e: {  	_ =	shalt  }
0x7f: {  	_ =	shalt  }
0x80: {  	_ =	shalt  }
0x81: {  	_ =	shalt  }
0x82: {  	_ =	shalt  }
0x83: {  	_ =	shalt  }
0x84: {  	_ =	shalt  }
0x85: {  	_ =	shalt  }
0x86: {  	_ =	shalt  }
0x87: {  	_ =	shalt  }
.Lfunc_end0:
.L_simem_size_0:
called_computation_lowered:
.L_overlay_start_0:
0x88: {  	s2 =	sld [smem:$0x3FD9]  }
0x89: {  	s3 =	sld [smem:$0x3FFE];
	_ =	sdelay $0x1  }
0x8a: {  	s1 =	srdreg.scid  }
0x8b: {  	s0 =	sand.u32 $0x1, s1  }
0x8c: {  	s17 =	sshll.u32 s0, $0xA;
	s2 =	sadd.s32 s3, s2  }
0x8d: {  	s2 =	sadd.s32 s2, s17  }
0x8e: {  	[smem:$0x3FC5] =	sst s2  }
0x8f: {  	_ = 	snop  }
0x90: {  	s2 =	sld [smem:$0x3FC9]  }
0x91: {  	s18 =	sld [smem:$0x3FC8]  }
0x92: {  	s4 =	sld [smem:$0x3FD0];
	(tm) =	ssettm $0x1  }
0x93: {  	s5 =	sld [smem:$0x3FFB];
	_ =	sdelay $0x3  }
0x94: {  	_ =	strace s5  }
0x95: {  	s5 =	sld [smem:$0x3FFC];
	_ =	sdelay $0x3  }
0x96: {  	_ =	strace s5  }
0x97: {  	s5 =	sld [smem:$0x3FFD];
	_ =	sdelay $0x3  }
0x98: {  	_ =	strace s5  }
0x99: {  	_ =	strace $0x8FFFFFFF  }
0x9a: {  	s19 =	sld [smem:$0x3FDB];
	_ =	sdelay $0x1  }
0x9b: {  	s6 =	simm.s32 $_scs_section_size  }
0x9c: {  	s7 =	simm.s32 $_size__tile_overlayer_lowered;
	s8 =	simm.s32 $_tile_overlayer_lowered  }
0x9d: {  	s22 =	simm.s32 $0x1BFF;
	s21 =	sshll.u32 s8, $0x1;
	s5 =	sadd.s32 s6, s19  }
0x9e: {  	s9 =	simm.s32 $0x0;
	s20 =	sshll.u32 s7, $0x1;
	s7 =	sadd.s32 s21, s5  }
0x9f: {  	[timem:s9], [sflag:s22] =	dma.local [hbm:s7], s20  }
0xa0: {  	_ =	swait.ge [sflag:s22], s20  }
0xa1: {  	s6 =	ssub.s32 $0x0, s20;
	[sflag:s22] =	ssyncset.done $0x0  }
0xa2: {  	[sflag:s22] =	ssyncadd.s32 s6;
	_ =	sdelay $0x1  }
0xa3: {  	s23 =	simm.s32 $0x1B8B  }
0xa4: {  	_ =	swait.ge [sflag:s23], $0x1  }
0xa5: {  	[sflag:s23] =	ssyncset.done $0x0  }
0xa6: {  	s25 =	simm.s32 $0x1B8E;
	s24 =	sld [smem:$0x3FFE];
	[sflag:s23] =	ssyncadd.s32 $0xFFFFFFFF  }
0xa7: {  	s26 =	simm.s32 $execute0_lowered;
	[smem:$0x3FD2] =	sst s25  }
0xa8: {  	s7 =	sshll.u32 s26, $0x1;
	_ =	strace $0x80000046;
	[dreg:$0x1] =	wrdreg $0xFFFFFFFF  }
0xa9: {  	s28 =	simm.s32 $_size_execute0_lowered;
	s5 =	sadd.s32 s5, s7;
	[dreg:$0x0] =	wrdreg $0x0  }
0xaa: {  	s7 =	sshll.u32 s28, $0x1;
	[dreg:$0x2] =	wrdreg s5  }
0xab: {  	[dreg:$0x3] =	wrdreg s7  }
0xac: {  	[dreg:$0x4] =	wrdreg $0xC0  }
0xad: {  	_ =	task [dreg:s9], $0x5FFFF  }
0xae: {  	[dreg:$0x1] =	wrdreg $0xFFFFFFFF  }
0xaf: {  	[dreg:$0x0] =	wrdreg $0x60  }
0xb0: {  	[dreg:$0x2] =	wrdreg s2  }
0xb1: {  	[dreg:$0x3] =	wrdreg s18  }
0xb2: {  	[dreg:$0x4] =	wrdreg s24  }
0xb3: {  	[dreg:$0x5] =	wrdreg s4  }
0xb4: {  	[dreg:$0x6] =	wrdreg $0x9  }
0xb5: {  	_ =	task.clear_ibuf [dreg:s9], $0x7FFFF;
	_ =	strace $0x90000046  }
0xb6: {  	s29 =	simm.s32 $0x9;
	_ =	strace $0x80000048  }
0xb7: {  	_ =	swait.ge [sflag:s29], $0x1  }
0xb8: {  	[sflag:s29] =	ssyncadd.s32 $0xFFFFFFFF  }
0xb9: {  	_ =	strace $0x90000048  }
0xba: {  	_ =	sfence  }
0xbb: {  	s30 =	sld [smem:$0x0];
	_ =	sdelay $0x2  }
0xbc: {  	s31 =	sshll.u32 s1, $0xD;
	s1 =	sshrl.u32 s1, $0x2  }
0xbd: {  	s3 =	sand.u32 $0x4000, s31;
	s1 =	sadd.s32 s1, s30  }
0xbe: {  	s0 =	sor.u32 s3, s0;
	s1 =	sshll.u32 s1, $0x11  }
0xbf: {  	s0 =	sor.u32 s1, s0  }
0xc0: {  	s0 =	sadd.s32 $0x8F2B, s0  }
0xc1: {  	[sflag:s0] =	ssyncadd.remote.s32 $0x1  }
0xc2: {  	_ =	sfence.sel $0xFFFF  }
0xc3: {  	[dreg:$0x0] =	wrdreg $0xFFFFFFFF;
	(pc) =	sbr.abs _section_cstart, $3  }
0xc4: {  	[dreg:$0x1] =	wrdreg $0xFFFFFFFF  }
0xc5: {  	_ =	task.clear_ibuf [dreg:s9], $0x2FFFF;
	_ =	strace $0x9FFFFFFF  }
0xc6: {  	(tm) =	ssettm $0x7FFFFFFF  }
0xc7: {  	_ =	shalt  }
tec
execute0_lowered:
.L_overlay_start_1:
0x0: {  	(tag) =	ssettag $0x1  }
0x1: {  	s0 =	rddreg [dreg:$0x0]  }
0x2: {  	s1 =	rddreg [dreg:$0x1]  }
0x3: {  	s4 =	rddreg [dreg:$0x2]  }
0x4: {  	s5 =	rddreg [dreg:$0x3]  }
0x5: {  	s8 =	stileid.u32;
	s3 =	srdreg.scid;
	s2 =	simm.s32 $0x0  }
0x6: {  	s16 =	simm.s32 $0x2;
	s17 =	simm.s32 $0xE000;
	s18 =	simm.s32 $0x3  }
0x7: {  	s19 =	simm.s32 $0x10000;
	s6 =	sshll.u32 s8, $0x1;
	s3 =	sand.u32 $0x1, s3  }
0x8: {  	[smem:$0x7FF] =	sst s2;
	s8 =	sshll.u32 s8, $0xA;
	s6 =	sand.u32 $0x6, s6  }
0x9: {  	_ =	strace $0x80000047;
	s9 =	ssub.s32 $0x2, s3;
	s6 =	sor.u32 s3, s6  }
0xa: {  	s3 =	sand.u32 $0x3000, s8;
	s26 =	sshrl.u32 s9, $0x1;
	s7 =	smul.u32 $0x1400, s6  }
0xb: {  	s10 =	sshll.u32 s6, $0xE;
	s11 =	ssub.s32 s9, s26;
	s6 =	sadd.s32 s1, s3  }
.Ltmp0:
0xc: {  	s28 =	sor.u32 s3, s10;
	s31 =	smax.u32 s11, $0x1;
	(pc) =	sbr.rel .LBB2_1-.Ltmp0, $4  }
0xd: {  	s4 =	sadd.s32 s7, s4;
	s29 =	sadd.s32 s0, s28;
	[dreg:$0x8] =	wrdreg s31  }
0xe: {  	s8 =	sadd.s32 s5, s10;
	s4 =	sadd.s32 $0x400, s4;
	[dreg:$0x6] =	wrdreg s29  }
0xf: {  	s0 =	sadd.s32 s0, s3;
	s30 =	sadd.s32 $0x20000, s29;
	[dreg:$0x5] =	wrdreg s4  }
0x10: {  	s9 =	sadd.s32 s10, s0;
	[dreg:$0x7] =	wrdreg s30;
	s4 =	simm.s32 $0x0  }
.LBB2_8:
0x11: {  	s0 =	simm.s32 $0x4  }
0x12: {  	_ =	swait.ge [sflag:s0], $0x2000  }
0x13: {  	[sflag:s0] =	ssyncset.done $0x0  }
0x14: {  	s1 =	simm.s32 $0x5;
	[sflag:s0] =	ssyncadd.s32 $0xFFFFE000  }
0x15: {  	_ =	swait.ge [sflag:s1], $0x2000  }
0x16: {  	s4 =	rddreg [dreg:$0x9]  }
0x17: {  	s31 =	rddreg [dreg:$0x8];
	s4 =	sadd.s32 $0x1, s4  }
0x18: {  	p0 =	sne.s32 s4, s31  }
.Ltmp1:
0x19: {  	_ = 	snop;
	(pc) =	sbr.rel @!p0 .LBB2_9-.Ltmp1, $3  }
0x1a: {  	_ =	sdelay $0x1  }
0x1b: {  	[sflag:s1] =	ssyncset.done $0x0  }
0x1c: {  	[sflag:s1] =	ssyncadd.s32 $0xFFFFE000  }
.LBB2_1:
0x1d: {  	[dreg:$0x9] =	wrdreg s4  }
0x1e: {  	s0 =	rddreg [dreg:$0x5];
	s25 =	simm.s32 $0x1  }
0x1f: {  	[tilespmem:s2], [sflag:$0x1] =	stream.linear.gather [hbm4b:s0+s2], $0xA000, $0x38;
	[tilespmem:$0x14000] =	vst v63  }
0x20: {  	_ =	swait.ge [sflag:s25], $0xA000  }
0x21: {  	[sflag:s25] =	ssyncset.done $0x0  }
0x22: {  	s26 =	simm.s32 $0x12000;
	s28 =	simm.s32 $0x6;
	[sflag:s25] =	ssyncadd.s32 $0xFFFF6000  }
0x23: {  	[tilespmem:s26], [sflag:$0x6] =	stream.linear.gather [hbm4b:s6+s2], $0x2000, $0x38;
	[tilespmem:$0x14000] =	vst v63  }
0x24: {  	_ =	swait.ge [sflag:s28], $0x2000  }
0x25: {  	[sflag:s28] =	ssyncset.done $0x0  }
0x26: {  	s1 =	simm.s32 $0xA000;
	s29 =	rddreg [dreg:$0x6];
	[sflag:s28] =	ssyncadd.s32 $0xFFFFE000  }
0x27: {  	[tilespmem:s1], [sflag:$0x2] =	stream.linear.gather [hbm4b:s29+s2], $0x2000, $0x38;
	[tilespmem:$0x14000] =	vst v63  }
0x28: {  	s31 =	simm.s32 $0xC000;
	s23 =	simm.s32 $0x0;
	s30 =	rddreg [dreg:$0x7]  }
0x29: {  	[tilespmem:s31], [sflag:$0x3] =	stream.linear.gather [hbm4b:s30+s2], $0x2000, $0x38;
	[tilespmem:$0x14000] =	vst v63  }
.LBB2_2:
0x2a: {  	s24 =	sshll.u32 s23, $0x1  }
0x2b: {  	p0 =	seq.s32 s23, $0x0;
	s25 =	sand.u32 $0x6, s24  }
0x2c: {  	p1 =	sne.s32 @!p0 s25, $0x0  }
0x2d: {  	p1 =	por p1, p0  }
0x2e: {  	s0 =	sshll.u32 s23, $0x8;
	s1 =	sshll.u32 @!p1 s23, $0xA  }
0x2f: {  	s4 =	sand.u32 $0xC00, s0;
	s0 =	sand.u32 @!p1 $0x7C000, s1  }
0x30: {  	s0 =	sor.u32 @!p1 s0, s4  }
0x31: {  	s5 =	simm.s32 @!p1 $0x12000;
	s1 =	simm.s32 @!p1 $0x0;
	s0 =	sadd.s32 @!p1 s0, s6  }
0x32: {  	[tilespmem:s5], [sflag:$0x6] =	stream.linear.gather @!p1 [hbm4b:s0+s1], $0x2000, $0x38;
	[tilespmem:$0x14000] =	vst v63  }
0x33: {  	s0 =	simm.s32 @!p1 $0x6  }
0x34: {  	_ =	swait.ge @!p1 [sflag:s0], $0x2000  }
0x35: {  	[sflag:s0] =	ssyncset.done @!p1 $0x0  }
0x36: {  	[sflag:s0] =	ssyncadd.s32 @!p1 $0xFFFFE000  }
0x37: {  	_ =	swait.ge [sflag:s16], $0x2000  }
0x38: {  	s15 =	sshrl.u32 s23, $0x1;
	[sflag:s16] =	ssyncset.done $0x0  }
0x39: {  	s20 =	sshll.u32 s25, $0x7;
	s5 =	simm.s32 @!p0 $0x4;
	[sflag:s16] =	ssyncadd.s32 $0xFFFFE000  }
0x3a: {  	s1 =	sor.u32 $0x12000, s20;
	s0 =	simm.s32 $0x0;
	_ =	swait.ge @!p0 [sflag:s5], $0x2000  }
0x3b: {  	s7 =	sand.u32 $0x60, s0;
	s11 =	sand.u32 $0x1C00, s0;
	[sflag:s5] =	ssyncset.done @!p0 $0x0  }
0x3c: {  	s21 =	sadd.s32 s11, s1;
	s30 =	sor.u32 s7, s11;
	[sflag:s5] =	ssyncadd.s32 @!p0 $0xFFFFE000  }
0x3d: {  	s12 =	simm.s32 $0x20;
	s26 =	sand.u32 $0xF8, s15;
	s10 =	sadd.s32 s7, s21;
	v2 =	vld [tilespmem:s30+$0xA100]  }
0x3e: {  	s14 =	simm.s32 $0x0;
	s28 =	sor.u32 s25, s26;
	s22 =	sand.u32 $0x3, s0;
	v3 =	vld [tilespmem:s10+$0x0]  }
0x3f: {  	s29 =	sor.u32 s3, s4;
	s20 =	sor.u32 $0x10, s7;
	s4 =	sshll.u32 s22, $0x5;
	v0 =	vld [tilespmem:s30+$0xA200]  }
0x40: {  	s31 =	sor.u32 s0, s0;
	s13 =	sadd.s32 $0x0, s4;
	s5 =	sadd.s32 s20, s21;
	v4 =	vld [tilespmem:s30+$0xA080]  }
.LBB2_3:
0x41: {  	p1 =	sne.s32 s12, $0x3E0  }
0x42: {  	v5 =	vld [tilespmem:s30+$0xA180];
	s10 =	sadd.s32 $0x10, s13;
	s0 =	sadd.s32 $0x100, s0;
	s22 =	smov.u32 s12  }
0x43: {  	s12 =	sadd.s32 $0x20, s12;
	s15 =	sor.u32 s0, s22;
	v6 =	vld [tilespmem:s30+$0xA000];
	s4 =	sor.u32 $0x380, s10  }
0x44: {  	s7 =	sor.u32 s11, s20;
	v1 =	vld [tilespmem:s4+$0xA000]  }
0x45: {  	v7 =	vld [tilespmem:s7+$0xA180]  }
0x46: {  	s10 =	sor.u32 $0x300, s10;
	v4 =	vmul.f32 $8.000000000e+00, v4;
	v8 =	vld [tilespmem:s7+$0xA080]  }
0x47: {  	s13 =	sor.u32 $0x300, s13;
	v2 =	vmul.f32 $8.000000000e+00, v2;
	v9 =	vadd.s32 $0x3C00, v3;
	v10 =	vld [tilespmem:s10+$0xA000]  }
0x48: {  	v11 =	vld [tilespmem:s13+$0xA000]  }
0x49: {  	v12 =	vld [tilespmem:s7+$0xA000]  }
0x4a: {  	v14 =	vadd.s32 $0x2800, v3;
	v13 =	vld.idx.msk [tilespmem:v3+s2+$0x0], $0xffff  }
0x4b: {  	v15 =	vld [tilespmem:s30+$0xA280]  }
0x4c: {  	v16 =	vadd.s32 $0x1400, v3;
	v17 =	vadd.s32 $0x5000, v3;
	v18 =	vadd.s32 $0x6400, v3;
	v9 =	vld.idx.msk [tilespmem:v9+s2+$0x0], $0xffff  }
0x4d: {  	v19 =	vld [tilespmem:s5+$0x0]  }
0x4e: {  	v20 =	vld [tilespmem:s7+$0xA280]  }
0x4f: {  	s21 =	sor.u32 $0x380, s31;
	v21 =	vadd.s32 $0x7800, v3;
	s31 =	smov.u32 s15;
	v3 =	vadd.s32 $0x8C00, v3;
	v14 =	vld.idx.msk [tilespmem:v14+s2+$0x0], $0xffff  }
0x50: {  	v22 =	vld [tilespmem:s21+$0xA000]  }
0x51: {  	v6 =	vmul.f32 $8.000000000e+00, v6;
	v16 =	vld.idx.msk [tilespmem:v16+s2+$0x0], $0xffff  }
0x52: {  	v23 =	vld [tilespmem:s7+$0xA100];
	v24 =	vadd.s32 $0x6400, v19;
	v25 =	vadd.s32 $0x8C00, v19  }
0x53: {  	v6 =	vadd.f32 v6, v13;
	v13 =	vadd.s32 $0x3C00, v19;
	v26 =	vadd.s32 $0x5000, v19;
	v27 =	vld [tilespmem:s7+$0xA200]  }
0x54: {  	v5 =	vmul.f32 $8.000000000e+00, v5;
	v28 =	vadd.s32 $0x1400, v19;
	v29 =	vadd.s32 $0x2800, v19;
	v21 =	vld.idx.msk [tilespmem:v21+s2+$0x0], $0xffff  }
0x55: {  	v2 =	vadd.f32 v2, v14;
	v14 =	vld.idx.msk [tilespmem:v19+s2+$0x0], $0xffff  }
0x56: {  	v7 =	vmul.f32 $8.000000000e+00, v7;
	v5 =	vadd.f32 v5, v9;
	v9 =	vld.idx.msk [tilespmem:v17+s2+$0x0], $0xffff  }
0x57: {  	v8 =	vmul.f32 $8.000000000e+00, v8;
	v12 =	vmul.f32 $8.000000000e+00, v12;
	v17 =	vadd.s32 $0x7800, v19;
	v3 =	vld.idx.msk [tilespmem:v3+s2+$0x0], $0xffff  }
0x58: {  	v20 =	vmul.f32 $8.000000000e+00, v20;
	v13 =	vld.idx.msk [tilespmem:v13+s2+$0x0], $0xffff;
	v19 =	vmul.f32 $8.000000000e+00, v27  }
0x59: {  	v0 =	vmul.f32 $8.000000000e+00, v0;
	v18 =	vld.idx.msk [tilespmem:v18+s2+$0x0], $0xffff  }
0x5a: {  	v27 =	vld.idx.msk [tilespmem:v29+s2+$0x0], $0xffff  }
0x5b: {  	s11 =	sand.u32 $0x1C00, s0;
	s15 =	sand.u32 $0x60, s22;
	v22 =	vmul.f32 $8.000000000e+00, v22;
	v28 =	vld.idx.msk [tilespmem:v28+s2+$0x0], $0xffff  }
0x5c: {  	s20 =	sor.u32 $0x10, s15;
	s5 =	sadd.s32 s11, s1;
	v0 =	vadd.f32 v0, v9;
	v9 =	vmul.f32 $8.000000000e+00, v15;
	v15 =	vld.idx.msk [tilespmem:v17+s2+$0x0], $0xffff  }
0x5d: {  	v11 =	vmul.f32 $8.000000000e+00, v11;
	s22 =	sadd.s32 s15, s5;
	s5 =	sadd.s32 s20, s5;
	v3 =	vadd.f32 v22, v3;
	v17 =	vld.idx.msk [tilespmem:v25+s2+$0x0], $0xffff  }
0x5e: {  	v4 =	vadd.f32 v4, v16;
	v16 =	vld.idx.msk [tilespmem:v24+s2+$0x0], $0xffff  }
0x5f: {  	v11 =	vadd.f32 v11, v21;
	v9 =	vadd.f32 v9, v18;
	v18 =	vld.idx.msk [tilespmem:v26+s2+$0x0], $0xffff  }
0x60: {  	v21 =	vmul.f32 $8.000000000e+00, v23;
	[tilespmem:s30+$0xE080] =	vst v4  }
0x61: {  	v4 =	vadd.f32 v8, v28;
	[tilespmem:s30+$0xE180] =	vst v5  }
0x62: {  	v8 =	vadd.f32 v21, v27;
	v5 =	vadd.f32 v12, v14;
	[tilespmem:s30+$0xE100] =	vst v2  }
0x63: {  	[tilespmem:s30+$0xE280] =	vst v9  }
0x64: {  	v2 =	vadd.f32 v7, v13;
	[tilespmem:s30+$0xE200] =	vst v0  }
0x65: {  	v0 =	vadd.f32 v19, v18;
	[tilespmem:s30+$0xE000] =	vst v6  }
0x66: {  	s30 =	sor.u32 s15, s11;
	v6 =	vadd.f32 v20, v16;
	[tilespmem:s13+$0xE000] =	vst v11  }
0x67: {  	[tilespmem:s21+$0xE000] =	vst v3  }
0x68: {  	[tilespmem:s7+$0xE000] =	vst v5  }
0x69: {  	[tilespmem:s7+$0xE080] =	vst v4  }
0x6a: {  	v3 =	vmul.f32 $8.000000000e+00, v10;
	[tilespmem:s7+$0xE100] =	vst v8  }
0x6b: {  	v1 =	vmul.f32 $8.000000000e+00, v1;
	[tilespmem:s7+$0xE180] =	vst v2  }
0x6c: {  	v2 =	vadd.f32 v3, v15;
	[tilespmem:s7+$0xE200] =	vst v0  }
0x6d: {  	v0 =	vadd.f32 v1, v17;
	[tilespmem:s7+$0xE280] =	vst v6  }
0x6e: {  	[tilespmem:s10+$0xE000] =	vst v2  }
0x6f: {  	[tilespmem:s4+$0xE000] =	vst v0  }
.Ltmp2:
0x70: {  	s14 =	sadd.s32 $0x1, s14;
	(pc) =	sbr.rel @p1 .LBB2_3-.Ltmp2, $4  }
0x71: {  	v2 =	vld [tilespmem:s30+$0xA100]  }
0x72: {  	s4 =	sand.u32 $0x3, s14;
	v3 =	vld [tilespmem:s22+$0x0]  }
0x73: {  	s4 =	sshll.u32 s4, $0x5;
	v0 =	vld [tilespmem:s30+$0xA200]  }
0x74: {  	s13 =	sadd.s32 s4, s0;
	v4 =	vld [tilespmem:s30+$0xA080]  }
0x75: {  	v1 =	vld [tilespmem:s30+$0xA180]  }
0x76: {  	v5 =	vld [tilespmem:s30+$0xA000]  }
0x77: {  	v15 =	vld [tilespmem:s30+$0xA280]  }
0x78: {  	s1 =	sor.u32 s11, s20;
	v17 =	vld [tilespmem:s5+$0x0]  }
0x79: {  	v7 =	vld [tilespmem:s1+$0xA180]  }
0x7a: {  	s7 =	sor.u32 $0x300, s13;
	v8 =	vld [tilespmem:s1+$0xA080]  }
0x7b: {  	v11 =	vld [tilespmem:s7+$0xA000]  }
0x7c: {  	v12 =	vld [tilespmem:s1+$0xA000]  }
0x7d: {  	s12 =	sor.u32 $0x380, s31;
	v18 =	vld [tilespmem:s1+$0xA280]  }
0x7e: {  	v20 =	vld [tilespmem:s12+$0xA000]  }
0x7f: {  	s4 =	sadd.s32 $0x10, s13;
	v23 =	vld [tilespmem:s1+$0xA100];
	v9 =	vadd.s32 $0x3C00, v3  }
0x80: {  	s0 =	sor.u32 $0x380, s4;
	v25 =	vld [tilespmem:s1+$0xA200];
	v14 =	vadd.s32 $0x2800, v3  }
0x81: {  	s4 =	sor.u32 $0x300, s4;
	v6 =	vld [tilespmem:s0+$0xA000];
	v16 =	vadd.s32 $0x1400, v3  }
0x82: {  	v10 =	vld [tilespmem:s4+$0xA000];
	v19 =	vadd.s32 $0x7800, v3  }
0x83: {  	v13 =	vld.idx.msk [tilespmem:v3+s2+$0x0], $0xffff;
	v21 =	vadd.s32 $0x5000, v3  }
0x84: {  	v22 =	vadd.s32 $0x8C00, v3;
	v9 =	vld.idx.msk [tilespmem:v9+s2+$0x0], $0xffff  }
0x85: {  	v3 =	vadd.s32 $0x6400, v3;
	v14 =	vld.idx.msk [tilespmem:v14+s2+$0x0], $0xffff  }
0x86: {  	v16 =	vld.idx.msk [tilespmem:v16+s2+$0x0], $0xffff  }
0x87: {  	v24 =	vadd.s32 $0x3C00, v17;
	v19 =	vld.idx.msk [tilespmem:v19+s2+$0x0], $0xffff  }
0x88: {  	v26 =	vadd.s32 $0x2800, v17;
	v21 =	vld.idx.msk [tilespmem:v21+s2+$0x0], $0xffff  }
0x89: {  	v28 =	vadd.s32 $0x1400, v17;
	v22 =	vld.idx.msk [tilespmem:v22+s2+$0x0], $0xffff  }
0x8a: {  	v29 =	vadd.s32 $0x7800, v17;
	v3 =	vld.idx.msk [tilespmem:v3+s2+$0x0], $0xffff  }
0x8b: {  	v30 =	vadd.s32 $0x8C00, v17;
	v27 =	vld.idx.msk [tilespmem:v17+s2+$0x0], $0xffff  }
0x8c: {  	v31 =	vadd.s32 $0x6400, v17;
	v24 =	vld.idx.msk [tilespmem:v24+s2+$0x0], $0xffff  }
0x8d: {  	v17 =	vadd.s32 $0x5000, v17;
	v26 =	vld.idx.msk [tilespmem:v26+s2+$0x0], $0xffff  }
0x8e: {  	v4 =	vmul.f32 $8.000000000e+00, v4;
	v28 =	vld.idx.msk [tilespmem:v28+s2+$0x0], $0xffff  }
0x8f: {  	v1 =	vmul.f32 $8.000000000e+00, v1;
	v29 =	vld.idx.msk [tilespmem:v29+s2+$0x0], $0xffff  }
0x90: {  	v2 =	vmul.f32 $8.000000000e+00, v2;
	v30 =	vld.idx.msk [tilespmem:v30+s2+$0x0], $0xffff;
	v4 =	vadd.f32 v4, v16  }
0x91: {  	v62 =	vmul.f32 $8.000000000e+00, v15;
	v61 =	vld.idx.msk [tilespmem:v31+s2+$0x0], $0xffff;
	v1 =	vadd.f32 v1, v9  }
0x92: {  	v0 =	vmul.f32 $8.000000000e+00, v0;
	v2 =	vadd.f32 v2, v14;
	v63 =	vld.idx.msk [tilespmem:v17+s2+$0x0], $0xffff;
	[tilespmem:s30+$0xE080] =	vst v4  }
0x93: {  	v3 =	vadd.f32 v62, v3;
	v4 =	vmul.f32 $8.000000000e+00, v5;
	[tilespmem:s30+$0xE180] =	vst v1  }
0x94: {  	v0 =	vadd.f32 v0, v21;
	v1 =	vmul.f32 $8.000000000e+00, v11;
	[tilespmem:s30+$0xE100] =	vst v2  }
0x95: {  	[tilespmem:s30+$0xE280] =	vst v3;
	v2 =	vadd.f32 v4, v13;
	v4 =	vmul.f32 $8.000000000e+00, v20  }
0x96: {  	v3 =	vmul.f32 $8.000000000e+00, v12;
	[tilespmem:s30+$0xE200] =	vst v0;
	v1 =	vadd.f32 v1, v19  }
0x97: {  	v0 =	vmul.f32 $8.000000000e+00, v8;
	v4 =	vadd.f32 v4, v22;
	[tilespmem:s30+$0xE000] =	vst v2  }
0x98: {  	v3 =	vadd.f32 v3, v27;
	v2 =	vmul.f32 $8.000000000e+00, v23;
	[tilespmem:s7+$0xE000] =	vst v1  }
0x99: {  	v0 =	vadd.f32 v0, v28;
	v1 =	vmul.f32 $8.000000000e+00, v7;
	[tilespmem:s12+$0xE000] =	vst v4  }
0x9a: {  	v4 =	vmul.f32 $8.000000000e+00, v25;
	v2 =	vadd.f32 v2, v26;
	[tilespmem:s1+$0xE000] =	vst v3  }
0x9b: {  	v3 =	vmul.f32 $8.000000000e+00, v18;
	v1 =	vadd.f32 v1, v24;
	[tilespmem:s1+$0xE080] =	vst v0  }
0x9c: {  	v0 =	vadd.f32 v4, v63;
	v4 =	vmul.f32 $8.000000000e+00, v10;
	[tilespmem:s1+$0xE100] =	vst v2  }
0x9d: {  	v2 =	vadd.f32 v3, v61;
	v3 =	vmul.f32 $8.000000000e+00, v6;
	[tilespmem:s1+$0xE180] =	vst v1  }
0x9e: {  	v1 =	vadd.f32 v4, v29;
	[tilespmem:s1+$0xE200] =	vst v0  }
0x9f: {  	v0 =	vadd.f32 v3, v30;
	[tilespmem:s1+$0xE280] =	vst v2  }
0xa0: {  	s13 =	sshll.u32 s28, $0x11;
	s28 =	sadd.s32 s29, s8;
	p1 =	seq.s32 s23, $0x18F;
	[tilespmem:s4+$0xE000] =	vst v1  }
0xa1: {  	s14 =	sadd.s32 s13, s28;
	[tilespmem:s0+$0xE000] =	vst v0;
	s0 =	sadd.s32 @!p1 $0x2, s24  }
0xa2: {  	[hbm4b:s14+s2] =	stream.linear.scatter [tilespmem:s17], [sflag:$0x4], $0x2000, $0x38;
	[tilespmem:$0x14000] =	vst v63  }
0xa3: {  	s1 =	sshrl.u32 @!p1 s0, $0x2  }
0xa4: {  	s4 =	sand.u32 @!p1 $0x6, s0;
	s0 =	sshll.u32 @!p1 s0, $0x7;
	s1 =	sand.u32 @!p1 $0x1F8, s1  }
0xa5: {  	s0 =	sand.u32 @!p1 $0xC00, s0;
	s1 =	sor.u32 @!p1 s4, s1  }
0xa6: {  	s0 =	sadd.s32 @!p1 s0, s9;
	s1 =	sshll.u32 @!p1 s1, $0x11  }
0xa7: {  	s4 =	simm.s32 @!p1 $0xA000;
	s0 =	sadd.s32 @!p1 s1, s0;
	s1 =	simm.s32 @!p1 $0x0  }
0xa8: {  	[tilespmem:s4], [sflag:$0x2] =	stream.linear.gather @!p1 [hbm4b:s0+s1], $0x2000, $0x38;
	[tilespmem:$0x14000] =	vst v63  }
0xa9: {  	_ =	swait.ge [sflag:s18], $0x2000  }
0xaa: {  	s15 =	sor.u32 $0x1, s25;
	[sflag:s18] =	ssyncset.done $0x0  }
0xab: {  	s20 =	sshll.u32 s15, $0x7;
	s4 =	simm.s32 @!p0 $0x5;
	[sflag:s18] =	ssyncadd.s32 $0xFFFFE000  }
0xac: {  	s0 =	simm.s32 $0x0;
	s1 =	sor.u32 $0x12000, s20;
	_ =	swait.ge @!p0 [sflag:s4], $0x2000  }
0xad: {  	s21 =	sand.u32 $0x60, s0;
	s11 =	sand.u32 $0x1C00, s0;
	[sflag:s4] =	ssyncset.done @!p0 $0x0  }
0xae: {  	s22 =	sadd.s32 s11, s1;
	s29 =	sor.u32 s21, s11;
	[sflag:s4] =	ssyncadd.s32 @!p0 $0xFFFFE000  }
0xaf: {  	s10 =	sadd.s32 s21, s22;
	v2 =	vld [tilespmem:s29+$0xC100]  }
0xb0: {  	s25 =	sor.u32 s26, s15;
	s12 =	simm.s32 $0x20;
	s30 =	sand.u32 $0x3, s0;
	v3 =	vld [tilespmem:s10+$0x0]  }
0xb1: {  	s14 =	simm.s32 $0x0;
	s20 =	sor.u32 $0x10, s21;
	s31 =	sshll.u32 s30, $0x5;
	v0 =	vld [tilespmem:s29+$0xC200]  }
0xb2: {  	s26 =	sor.u32 s0, s0;
	s5 =	sadd.s32 s20, s22;
	s13 =	sadd.s32 $0x0, s31;
	v4 =	vld [tilespmem:s29+$0xC080]  }
.LBB2_5:
0xb3: {  	p0 =	sne.s32 s12, $0x3E0  }
0xb4: {  	v5 =	vld [tilespmem:s29+$0xC180];
	s10 =	sadd.s32 $0x10, s13;
	s0 =	sadd.s32 $0x100, s0;
	s22 =	smov.u32 s12  }
0xb5: {  	s12 =	sadd.s32 $0x20, s12;
	s15 =	sor.u32 s0, s22;
	v6 =	vld [tilespmem:s29+$0xC000];
	s4 =	sor.u32 $0x380, s10  }
0xb6: {  	s7 =	sor.u32 s11, s20;
	v1 =	vld [tilespmem:s4+$0xC000]  }
0xb7: {  	v7 =	vld [tilespmem:s7+$0xC180]  }
0xb8: {  	s10 =	sor.u32 $0x300, s10;
	v4 =	vmul.f32 $8.000000000e+00, v4;
	v8 =	vld [tilespmem:s7+$0xC080]  }
0xb9: {  	s13 =	sor.u32 $0x300, s13;
	v2 =	vmul.f32 $8.000000000e+00, v2;
	v9 =	vadd.s32 $0x3C00, v3;
	v10 =	vld [tilespmem:s10+$0xC000]  }
0xba: {  	v11 =	vld [tilespmem:s13+$0xC000]  }
0xbb: {  	v12 =	vld [tilespmem:s7+$0xC000]  }
0xbc: {  	v14 =	vadd.s32 $0x2800, v3;
	v13 =	vld.idx.msk [tilespmem:v3+s2+$0x0], $0xffff  }
0xbd: {  	v15 =	vld [tilespmem:s29+$0xC280]  }
0xbe: {  	v16 =	vadd.s32 $0x1400, v3;
	v17 =	vadd.s32 $0x5000, v3;
	v18 =	vadd.s32 $0x6400, v3;
	v9 =	vld.idx.msk [tilespmem:v9+s2+$0x0], $0xffff  }
0xbf: {  	v19 =	vld [tilespmem:s5+$0x0]  }
0xc0: {  	v20 =	vld [tilespmem:s7+$0xC280]  }
0xc1: {  	s21 =	sor.u32 $0x380, s26;
	v21 =	vadd.s32 $0x7800, v3;
	s26 =	smov.u32 s15;
	v3 =	vadd.s32 $0x8C00, v3;
	v14 =	vld.idx.msk [tilespmem:v14+s2+$0x0], $0xffff  }
0xc2: {  	v22 =	vld [tilespmem:s21+$0xC000]  }
0xc3: {  	v6 =	vmul.f32 $8.000000000e+00, v6;
	v16 =	vld.idx.msk [tilespmem:v16+s2+$0x0], $0xffff  }
0xc4: {  	v23 =	vld [tilespmem:s7+$0xC100];
	v24 =	vadd.s32 $0x6400, v19;
	v25 =	vadd.s32 $0x8C00, v19  }
0xc5: {  	v6 =	vadd.f32 v6, v13;
	v13 =	vadd.s32 $0x3C00, v19;
	v26 =	vadd.s32 $0x5000, v19;
	v27 =	vld [tilespmem:s7+$0xC200]  }
0xc6: {  	v5 =	vmul.f32 $8.000000000e+00, v5;
	v28 =	vadd.s32 $0x1400, v19;
	v29 =	vadd.s32 $0x2800, v19;
	v21 =	vld.idx.msk [tilespmem:v21+s2+$0x0], $0xffff  }
0xc7: {  	v2 =	vadd.f32 v2, v14;
	v14 =	vld.idx.msk [tilespmem:v19+s2+$0x0], $0xffff  }
0xc8: {  	v7 =	vmul.f32 $8.000000000e+00, v7;
	v5 =	vadd.f32 v5, v9;
	v9 =	vld.idx.msk [tilespmem:v17+s2+$0x0], $0xffff  }
0xc9: {  	v8 =	vmul.f32 $8.000000000e+00, v8;
	v12 =	vmul.f32 $8.000000000e+00, v12;
	v17 =	vadd.s32 $0x7800, v19;
	v3 =	vld.idx.msk [tilespmem:v3+s2+$0x0], $0xffff  }
0xca: {  	v20 =	vmul.f32 $8.000000000e+00, v20;
	v13 =	vld.idx.msk [tilespmem:v13+s2+$0x0], $0xffff;
	v19 =	vmul.f32 $8.000000000e+00, v27  }
0xcb: {  	v0 =	vmul.f32 $8.000000000e+00, v0;
	v18 =	vld.idx.msk [tilespmem:v18+s2+$0x0], $0xffff  }
0xcc: {  	v27 =	vld.idx.msk [tilespmem:v29+s2+$0x0], $0xffff  }
0xcd: {  	s11 =	sand.u32 $0x1C00, s0;
	s15 =	sand.u32 $0x60, s22;
	v22 =	vmul.f32 $8.000000000e+00, v22;
	v28 =	vld.idx.msk [tilespmem:v28+s2+$0x0], $0xffff  }
0xce: {  	s20 =	sor.u32 $0x10, s15;
	s5 =	sadd.s32 s11, s1;
	v0 =	vadd.f32 v0, v9;
	v9 =	vmul.f32 $8.000000000e+00, v15;
	v15 =	vld.idx.msk [tilespmem:v17+s2+$0x0], $0xffff  }
0xcf: {  	v11 =	vmul.f32 $8.000000000e+00, v11;
	s22 =	sadd.s32 s15, s5;
	s5 =	sadd.s32 s20, s5;
	v3 =	vadd.f32 v22, v3;
	v17 =	vld.idx.msk [tilespmem:v25+s2+$0x0], $0xffff  }
0xd0: {  	v4 =	vadd.f32 v4, v16;
	v16 =	vld.idx.msk [tilespmem:v24+s2+$0x0], $0xffff  }
0xd1: {  	v11 =	vadd.f32 v11, v21;
	v9 =	vadd.f32 v9, v18;
	v18 =	vld.idx.msk [tilespmem:v26+s2+$0x0], $0xffff  }
0xd2: {  	v21 =	vmul.f32 $8.000000000e+00, v23;
	[tilespmem:s29+$0x10080] =	vst v4  }
0xd3: {  	v4 =	vadd.f32 v8, v28;
	[tilespmem:s29+$0x10180] =	vst v5  }
0xd4: {  	v8 =	vadd.f32 v21, v27;
	v5 =	vadd.f32 v12, v14;
	[tilespmem:s29+$0x10100] =	vst v2  }
0xd5: {  	[tilespmem:s29+$0x10280] =	vst v9  }
0xd6: {  	v2 =	vadd.f32 v7, v13;
	[tilespmem:s29+$0x10200] =	vst v0  }
0xd7: {  	v0 =	vadd.f32 v19, v18;
	[tilespmem:s29+$0x10000] =	vst v6  }
0xd8: {  	s29 =	sor.u32 s15, s11;
	v6 =	vadd.f32 v20, v16;
	[tilespmem:s13+$0x10000] =	vst v11  }
0xd9: {  	[tilespmem:s21+$0x10000] =	vst v3  }
0xda: {  	[tilespmem:s7+$0x10000] =	vst v5  }
0xdb: {  	[tilespmem:s7+$0x10080] =	vst v4  }
0xdc: {  	v3 =	vmul.f32 $8.000000000e+00, v10;
	[tilespmem:s7+$0x10100] =	vst v8  }
0xdd: {  	v1 =	vmul.f32 $8.000000000e+00, v1;
	[tilespmem:s7+$0x10180] =	vst v2  }
0xde: {  	v2 =	vadd.f32 v3, v15;
	[tilespmem:s7+$0x10200] =	vst v0  }
0xdf: {  	v0 =	vadd.f32 v1, v17;
	[tilespmem:s7+$0x10280] =	vst v6  }
0xe0: {  	[tilespmem:s10+$0x10000] =	vst v2  }
0xe1: {  	[tilespmem:s4+$0x10000] =	vst v0  }
.Ltmp3:
0xe2: {  	s14 =	sadd.s32 $0x1, s14;
	(pc) =	sbr.rel @p0 .LBB2_5-.Ltmp3, $4  }
0xe3: {  	v2 =	vld [tilespmem:s29+$0xC100]  }
0xe4: {  	s4 =	sand.u32 $0x3, s14;
	v3 =	vld [tilespmem:s22+$0x0]  }
0xe5: {  	s4 =	sshll.u32 s4, $0x5;
	v0 =	vld [tilespmem:s29+$0xC200]  }
0xe6: {  	s13 =	sadd.s32 s4, s0;
	v4 =	vld [tilespmem:s29+$0xC080]  }
0xe7: {  	v1 =	vld [tilespmem:s29+$0xC180]  }
0xe8: {  	v5 =	vld [tilespmem:s29+$0xC000]  }
0xe9: {  	v15 =	vld [tilespmem:s29+$0xC280]  }
0xea: {  	s1 =	sor.u32 s11, s20;
	v17 =	vld [tilespmem:s5+$0x0]  }
0xeb: {  	v7 =	vld [tilespmem:s1+$0xC180]  }
0xec: {  	s7 =	sor.u32 $0x300, s13;
	v8 =	vld [tilespmem:s1+$0xC080]  }
0xed: {  	v11 =	vld [tilespmem:s7+$0xC000]  }
0xee: {  	v12 =	vld [tilespmem:s1+$0xC000]  }
0xef: {  	s26 =	sor.u32 $0x380, s26;
	v18 =	vld [tilespmem:s1+$0xC280]  }
0xf0: {  	v20 =	vld [tilespmem:s26+$0xC000]  }
0xf1: {  	s4 =	sadd.s32 $0x10, s13;
	v23 =	vld [tilespmem:s1+$0xC100];
	v9 =	vadd.s32 $0x3C00, v3  }
0xf2: {  	s0 =	sor.u32 $0x380, s4;
	v25 =	vld [tilespmem:s1+$0xC200];
	v14 =	vadd.s32 $0x2800, v3  }
0xf3: {  	s4 =	sor.u32 $0x300, s4;
	v6 =	vld [tilespmem:s0+$0xC000];
	v16 =	vadd.s32 $0x1400, v3  }
0xf4: {  	v10 =	vld [tilespmem:s4+$0xC000];
	v19 =	vadd.s32 $0x7800, v3  }
0xf5: {  	v13 =	vld.idx.msk [tilespmem:v3+s2+$0x0], $0xffff;
	v21 =	vadd.s32 $0x5000, v3  }
0xf6: {  	v22 =	vadd.s32 $0x8C00, v3;
	v9 =	vld.idx.msk [tilespmem:v9+s2+$0x0], $0xffff  }
0xf7: {  	v44 =	vadd.s32 $0x6400, v3;
	v14 =	vld.idx.msk [tilespmem:v14+s2+$0x0], $0xffff  }
0xf8: {  	v16 =	vld.idx.msk [tilespmem:v16+s2+$0x0], $0xffff  }
0xf9: {  	v24 =	vadd.s32 $0x3C00, v17;
	v19 =	vld.idx.msk [tilespmem:v19+s2+$0x0], $0xffff  }
0xfa: {  	v26 =	vadd.s32 $0x2800, v17;
	v21 =	vld.idx.msk [tilespmem:v21+s2+$0x0], $0xffff  }
0xfb: {  	v28 =	vadd.s32 $0x1400, v17;
	v22 =	vld.idx.msk [tilespmem:v22+s2+$0x0], $0xffff  }
0xfc: {  	v29 =	vadd.s32 $0x7800, v17;
	v3 =	vld.idx.msk [tilespmem:v44+s2+$0x0], $0xffff  }
0xfd: {  	v30 =	vadd.s32 $0x8C00, v17;
	v27 =	vld.idx.msk [tilespmem:v17+s2+$0x0], $0xffff  }
0xfe: {  	v31 =	vadd.s32 $0x6400, v17;
	v24 =	vld.idx.msk [tilespmem:v24+s2+$0x0], $0xffff  }
0xff: {  	v17 =	vadd.s32 $0x5000, v17;
	v26 =	vld.idx.msk [tilespmem:v26+s2+$0x0], $0xffff  }
0x100: {  	v48 =	vmul.f32 $8.000000000e+00, v5;
	v28 =	vld.idx.msk [tilespmem:v28+s2+$0x0], $0xffff  }
0x101: {  	v4 =	vmul.f32 $8.000000000e+00, v4;
	v29 =	vld.idx.msk [tilespmem:v29+s2+$0x0], $0xffff  }
0x102: {  	v1 =	vmul.f32 $8.000000000e+00, v1;
	v50 =	vadd.f32 v48, v13;
	v30 =	vld.idx.msk [tilespmem:v30+s2+$0x0], $0xffff  }
0x103: {  	v2 =	vmul.f32 $8.000000000e+00, v2;
	v45 =	vld.idx.msk [tilespmem:v31+s2+$0x0], $0xffff;
	v4 =	vadd.f32 v4, v16  }
0x104: {  	v46 =	vmul.f32 $8.000000000e+00, v15;
	v1 =	vadd.f32 v1, v9;
	v47 =	vld.idx.msk [tilespmem:v17+s2+$0x0], $0xffff;
	[tilespmem:s29+$0x10000] =	vst v50  }
0x105: {  	v0 =	vmul.f32 $8.000000000e+00, v0;
	v2 =	vadd.f32 v2, v14;
	[tilespmem:s29+$0x10080] =	vst v4  }
0x106: {  	v49 =	vmul.f32 $8.000000000e+00, v11;
	v3 =	vadd.f32 v46, v3;
	[tilespmem:s29+$0x10180] =	vst v1  }
0x107: {  	v51 =	vmul.f32 $8.000000000e+00, v20;
	v0 =	vadd.f32 v0, v21;
	[tilespmem:s29+$0x10100] =	vst v2  }
0x108: {  	v52 =	vmul.f32 $8.000000000e+00, v12;
	[tilespmem:s29+$0x10280] =	vst v3;
	v1 =	vadd.f32 v49, v19  }
0x109: {  	v53 =	vmul.f32 $8.000000000e+00, v8;
	[tilespmem:s29+$0x10200] =	vst v0;
	v4 =	vadd.f32 v51, v22  }
0x10a: {  	v54 =	vmul.f32 $8.000000000e+00, v23;
	v3 =	vadd.f32 v52, v27;
	[tilespmem:s7+$0x10000] =	vst v1  }
0x10b: {  	v55 =	vmul.f32 $8.000000000e+00, v7;
	v0 =	vadd.f32 v53, v28;
	[tilespmem:s26+$0x10000] =	vst v4  }
0x10c: {  	v57 =	vmul.f32 $8.000000000e+00, v18;
	v2 =	vadd.f32 v54, v26;
	[tilespmem:s1+$0x10000] =	vst v3  }
0x10d: {  	v56 =	vmul.f32 $8.000000000e+00, v25;
	v1 =	vadd.f32 v55, v24;
	[tilespmem:s1+$0x10080] =	vst v0  }
0x10e: {  	v59 =	vmul.f32 $8.000000000e+00, v10;
	v60 =	vadd.f32 v57, v45;
	[tilespmem:s1+$0x10100] =	vst v2  }
0x10f: {  	v61 =	vmul.f32 $8.000000000e+00, v6;
	v58 =	vadd.f32 v56, v47;
	[tilespmem:s1+$0x10180] =	vst v1  }
.Ltmp4:
0x110: {  	v62 =	vadd.f32 v59, v29;
	[tilespmem:s1+$0x10280] =	vst v60;
	(pc) =	sbr.rel @p1 .LBB2_8-.Ltmp4, $4  }
0x111: {  	v63 =	vadd.f32 v61, v30;
	[tilespmem:s1+$0x10200] =	vst v58  }
0x112: {  	s30 =	sshll.u32 s25, $0x11;
	[tilespmem:s4+$0x10000] =	vst v62  }
0x113: {  	s31 =	sadd.s32 s30, s28;
	[tilespmem:s0+$0x10000] =	vst v63  }
0x114: {  	[hbm4b:s31+s2] =	stream.linear.scatter [tilespmem:s19], [sflag:$0x5], $0x2000, $0x38;
	[tilespmem:$0x14000] =	vst v63  }
0x115: {  	s0 =	sadd.s32 $0x3, s24  }
0x116: {  	s1 =	sshrl.u32 s0, $0x2;
	s4 =	sand.u32 $0x7, s0  }
.Ltmp5:
0x117: {  	s0 =	sshll.u32 s0, $0x7;
	s1 =	sand.u32 $0x1F8, s1;
	(pc) =	sbr.rel .LBB2_2-.Ltmp5, $4  }
0x118: {  	s0 =	sand.u32 $0xC00, s0;
	s1 =	sor.u32 s4, s1  }
0x119: {  	s0 =	sadd.s32 s0, s9;
	s1 =	sshll.u32 s1, $0x11  }
0x11a: {  	s31 =	simm.s32 $0xC000;
	s23 =	sadd.s32 $0x1, s23;
	s0 =	sadd.s32 s1, s0  }
0x11b: {  	[tilespmem:s31], [sflag:$0x3] =	stream.linear.gather [hbm4b:s0+s2], $0x2000, $0x38;
	[tilespmem:$0x14000] =	vst v63  }
.LBB2_9:
0x11c: {  	_ =	sfence.sel $0x180000  }
0x11d: {  	[bflag:$0x0] =	sbarrier.arrive $0xFFFF  }
0x11e: {  	_ =	strace $0x90000047  }
0x11f: {  	s0 =	stileid.u32;
	[bflag:$0x2] =	sbarrier.arrive $0xFFFF  }
0x120: {  	p0 =	sne.s32 s0, $0x0;
	s0 =	rddreg [dreg:$0x4]  }
0x121: {  	s0 =	sadd.s32 @!p0 $0x100000, s0  }
0x122: {  	[sflag:s0] =	ssyncadd.tile.s32 @!p0 $0x1;
	_ =	shalt  }
.Lfunc_end2:
_tile_overlayer_lowered:
.L_overlay_start_2:
0x123: {  	(tag) =	ssettag $0x2  }
0x124: {  	s0 =	rddreg [dreg:$0x0];
	s2 =	stileid.u32  }
0x125: {  	s1 =	rddreg [dreg:$0x1];
	p0 =	sne.s32 s2, $0x0  }
0x126: {  	s3 =	rddreg [dreg:$0x2];
	[bflag:$0x3] =	sbarrier.arrive $0xFFFF;
	s2 =	simm.s32 @!p0 $0x1C07  }
0x127: {  	[timem:s3], [sflag:s2] =	dma.local @!p0 [hbm:s0], s1  }
0x128: {  	s0 =	simm.s32 @!p0 $0x7  }
0x129: {  	_ =	swait.ge @!p0 [sflag:s0], s1  }
0x12a: {  	s1 =	ssub.s32 @!p0 $0x0, s1;
	[sflag:s0] =	ssyncset.done @!p0 $0x0  }
0x12b: {  	[sflag:s0] =	ssyncadd.s32 @!p0 s1  }
0x12c: {  	[bflag:$0x3] =	sbarrier.arrive $0xFFFF  }
0x12d: {  	_ =	shalt  }

</sc_bundles>
